<compile_context>
chip_gen: v7x
topology: tpu7x:2x2x1
jax: 0.10.2.dev20260603
libtpu: 0.0.44.dev20260713+nightly
codegen_flags: <defaults>
</compile_context>

<pallas_src>
import functools

import jax
import jax.numpy as jnp
from jax import lax
from jax.experimental import pallas as pl
from jax.experimental.pallas import tpu as pltpu
from jax.experimental.pallas import tpu_sc as plsc

NC, NS, L = 2, 16, 16
NW = NC * NS


@functools.lru_cache(maxsize=None)
def _make_kernel(B, N, G):
    P = B * N
    assert P % NW == 0
    PW = P // NW
    assert N % PW == 0
    K = 400
    assert PW % K == 0 and K % L == 0 and K % 8 == 0
    NCHUNK = PW // K
    NG = K // L
    GG = G * G
    TILES_PER_BATCH = NW // B

    mesh = plsc.VectorSubcoreMesh(core_axis_name="c", subcore_axis_name="s")

    @functools.partial(
        pl.kernel,
        out_type=jax.ShapeDtypeStruct((P, 2), jnp.float32),
        mesh=mesh,
        compiler_params=pltpu.CompilerParams(use_tc_tiling_on_sc=False,
                                             needs_layout_passes=False),
        scratch_types=[
            pltpu.VMEM((2, K), jnp.float32),
            pltpu.VMEM((2, K), jnp.float32),
            pltpu.VMEM((2, 4 * K), jnp.int32),
            pltpu.VMEM((2, K), jnp.float32),
            pltpu.VMEM((2, K), jnp.float32),
            pltpu.VMEM((2, K), jnp.float32),
            pltpu.VMEM((2, K), jnp.float32),
            pltpu.VMEM((2, 4 * K), jnp.float32),
            pltpu.VMEM((2, 4 * K), jnp.float32),
            pltpu.VMEM((K, 2), jnp.float32),
            pltpu.SemaphoreType.DMA,
        ],
    )
    def grid_sample(t0, t1, u_hbm, v_hbm, out_hbm,
                    u_v, v_v, idx_v, wa_v, wb_v, wc_v, wd_v, g0_v, g1_v, o_v,
                    sem):
        cid = lax.axis_index("c")
        sid = lax.axis_index("s")
        wid = sid * NC + cid
        batch = wid // TILES_PER_BATCH
        boff = batch * GG
        lanes = lax.iota(jnp.int32, L)
        col0 = jnp.zeros((L,), jnp.int32)
        col1 = jnp.ones((L,), jnp.int32)
        tbase = wid * PW

        def load_uv(ci, s):
            base = tbase + ci * K
            pltpu.sync_copy(u_hbm.at[pl.ds(base, K)], u_v.at[s])
            pltpu.sync_copy(v_hbm.at[pl.ds(base, K)], v_v.at[s])

        def build(s):
            def body(g, c2):
                sl = pl.ds(g * L, L)
                u = u_v[s, sl]
                v = v_v[s, sl]
                ui = jnp.minimum(u.astype(jnp.int32), G - 2)
                vi = jnp.minimum(v.astype(jnp.int32), G - 2)
                fu = u - ui.astype(jnp.float32)
                fv = v - vi.astype(jnp.float32)
                gu = 1.0 - fu
                gv = 1.0 - fv
                ia = ui * G + vi + boff
                idx_v[s, sl] = ia
                idx_v[s, pl.ds(K + g * L, L)] = ia + 1
                idx_v[s, pl.ds(2 * K + g * L, L)] = ia + G
                idx_v[s, pl.ds(3 * K + g * L, L)] = ia + G + 1
                wa_v[s, sl] = gu * gv
                wb_v[s, sl] = gu * fv
                wc_v[s, sl] = fu * gv
                wd_v[s, sl] = fu * fv
                return c2

            lax.fori_loop(0, NG, body, 0, unroll=False)

        def issue_gather(s):
            pltpu.async_copy(t0.at[idx_v.at[s]], g0_v.at[s], sem)
            pltpu.async_copy(t1.at[idx_v.at[s]], g1_v.at[s], sem)

        def wait_gather(s):
            pltpu.make_async_copy(t0.at[idx_v.at[s]], g0_v.at[s], sem).wait()
            pltpu.make_async_copy(t1.at[idx_v.at[s]], g1_v.at[s], sem).wait()

        def blend_store(ci, s):
            def body(g, c2):
                sl = pl.ds(g * L, L)
                row = g * L + lanes
                wa = wa_v[s, sl]
                wb = wb_v[s, sl]
                wc = wc_v[s, sl]
                wd = wd_v[s, sl]
                for col, g_v in ((col0, g0_v), (col1, g1_v)):
                    a = g_v[s, sl]
                    b = g_v[s, pl.ds(K + g * L, L)]
                    cc = g_v[s, pl.ds(2 * K + g * L, L)]
                    d = g_v[s, pl.ds(3 * K + g * L, L)]
                    o = a * wa + b * wb + cc * wc + d * wd
                    plsc.store_scatter(o_v, [row, col], o)
                return c2

            lax.fori_loop(0, NG, body, 0, unroll=False)
            pltpu.sync_copy(o_v, out_hbm.at[pl.ds(tbase + ci * K, K)])

        load_uv(0, 0)
        build(0)
        issue_gather(0)
        load_uv(1, 1)

        def chunk_body(ci, carry):
            p = lax.rem(ci, 2)
            q = 1 - p

            @pl.when(ci < NCHUNK - 1)
            def _():
                build(q)

            wait_gather(p)

            @pl.when(ci < NCHUNK - 1)
            def _():
                issue_gather(q)

            blend_store(ci, p)

            @pl.when(ci < NCHUNK - 2)
            def _():
                load_uv(ci + 2, p)

            return carry

        lax.fori_loop(0, NCHUNK, chunk_body, 0, unroll=False)

    return grid_sample


def kernel(velocity, points, bounding_box, grid_size):
    B, _, G, _ = velocity.shape
    N = points.shape[1]
    t0 = velocity[:, 0, :, :].reshape(B * G * G)
    t1 = velocity[:, 1, :, :].reshape(B * G * G)
    sx = (G - 1) / (bounding_box[0, 1] - bounding_box[0, 0])
    sy = (G - 1) / (bounding_box[1, 1] - bounding_box[1, 0])
    u = ((points[:, :, 0] - bounding_box[0, 0]) * sx).reshape(-1)
    v = ((points[:, :, 1] - bounding_box[1, 0]) * sy).reshape(-1)
    out = _make_kernel(B, N, G)(t0, t1, u, v)
    return out.reshape(B, N, 2)

# --- scband reference (transcript-rebuilt; emitter-appended) ---
"""Pipeline reference for scband-bayesian-atlas-74277164417758 (READ-ONLY COPY).

The authoritative reference and input builder live on the scoring server;
editing this copy changes nothing except your own understanding.
"""

import jax, jax.numpy as jnp
import numpy as np

BTS, NBP, G = 8, 200000, 512


def setup_inputs(seed: int = 0) -> dict:
    key = jax.random.key(seed)
    k1, k2 = jax.random.split(key)
    velocity = jax.random.normal(k1, (BTS, 2, G, G), dtype=jnp.float32)
    points = jax.random.uniform(k2, (BTS, NBP, 2), dtype=jnp.float32)
    bounding_box = jnp.array([[0.0, 1.0], [0.0, 1.0]], dtype=jnp.float32)
    return {"velocity": velocity, "points": points, "bounding_box": bounding_box, "grid_size": G}


def _batch_index_select(vel, idx):
    # vel: (B, G*G, 2), idx: (B, N) int32 -> (B, N, 2)
    idx3 = jnp.broadcast_to(idx[:, :, None], idx.shape + (vel.shape[-1],))
    return jnp.take_along_axis(vel, idx3, axis=1)


def _bilinear_interp(velocity, points, bounding_box, grid_size):
    bts, nbp, dim = points.shape
    vel = jnp.transpose(velocity, (0, 2, 3, 1)).reshape(bts, -1, dim)
    x = points[:, :, 0]
    y = points[:, :, 1]
    u = (x - bounding_box[0, 0]) / (bounding_box[0, 1] - bounding_box[0, 0]) * (grid_size - 1)
    v = (y - bounding_box[1, 0]) / (bounding_box[1, 1] - bounding_box[1, 0]) * (grid_size - 1)
    u1 = jnp.clip(jnp.floor(jax.lax.stop_gradient(u)), 0, grid_size - 1)
    v1 = jnp.clip(jnp.floor(jax.lax.stop_gradient(v)), 0, grid_size - 1)
    u2 = jnp.clip(u1 + 1, 0, grid_size - 1)
    v2 = jnp.clip(v1 + 1, 0, grid_size - 1)
    fu = (u - u1)[:, :, None]
    fv = (v - v1)[:, :, None]
    gu = (u1 + 1 - u)[:, :, None]
    gv = (v1 + 1 - v)[:, :, None]
    u1i = u1.astype(jnp.int32)
    v1i = v1.astype(jnp.int32)
    u2i = u2.astype(jnp.int32)
    v2i = v2.astype(jnp.int32)
    out = (_batch_index_select(vel, u1i * grid_size + v1i) * gu * gv
           + _batch_index_select(vel, u1i * grid_size + v2i) * gu * fv
           + _batch_index_select(vel, u2i * grid_size + v1i) * fu * gv
           + _batch_index_select(vel, u2i * grid_size + v2i) * fu * fv)
    return out


def reference(velocity, points, bounding_box, grid_size):
    return _bilinear_interp(velocity, points, bounding_box, grid_size)

if __name__ == "__main__":
    import jax
    _d = setup_inputs()
    print(jax.jit(kernel)(*tuple(_d.values())))

</pallas_src>

<mosaic_0001>
#map = affine_map<(d0, d1) -> (0)>
#map1 = affine_map<(d0, d1) -> (0, 0)>
module attributes {stable_mosaic.version = 14 : i64} {
  func.func @grid_sample(%arg0: i32, %arg1: i32, %arg2: memref<2097152xf32, #tpu.memory_space<hbm>>, %arg3: memref<2097152xf32, #tpu.memory_space<hbm>>, %arg4: memref<1600000xf32, #tpu.memory_space<hbm>>, %arg5: memref<1600000xf32, #tpu.memory_space<hbm>>, %arg6: memref<1600000x2xf32, #tpu.memory_space<hbm>>, %arg7: memref<2x400xf32, #tpu.memory_space<vmem>>, %arg8: memref<2x400xf32, #tpu.memory_space<vmem>>, %arg9: memref<2x1600xi32, #tpu.memory_space<vmem>>, %arg10: memref<2x400xf32, #tpu.memory_space<vmem>>, %arg11: memref<2x400xf32, #tpu.memory_space<vmem>>, %arg12: memref<2x400xf32, #tpu.memory_space<vmem>>, %arg13: memref<2x400xf32, #tpu.memory_space<vmem>>, %arg14: memref<2x1600xf32, #tpu.memory_space<vmem>>, %arg15: memref<2x1600xf32, #tpu.memory_space<vmem>>, %arg16: memref<400x2xf32, #tpu.memory_space<vmem>>, %arg17: memref<!tpu.dma_semaphore, #tpu.memory_space<semaphore_mem>>) attributes {dimension_semantics = [#tpu.dimension_semantics<core_parallel>, #tpu.dimension_semantics<subcore_parallel>], iteration_bounds = array<i64: 2, 16>, scalar_prefetch = 0 : i64, scratch_operands = 11 : i64, tpu.core_type = #tpu.core_type<sc_vector_subcore>, window_params = [{transform_indices = #map}, {transform_indices = #map}, {transform_indices = #map}, {transform_indices = #map}, {transform_indices = #map1}]} {
    %mul3A = arith.constant 2 : i32
    %mul3A_0 = arith.muli %arg1, %mul3A : i32
    %add3A = arith.addi %mul3A_0, %arg0 : i32
    %jit3A = arith.constant 4 : i32
    %div3A = arith.divsi %add3A, %jit3A : i32
    %sign3A = arith.constant 0 : i32
    %sign3A_1 = arith.cmpi sgt, %add3A, %sign3A : i32
    %sign3A_2 = arith.extui %sign3A_1 : i1 to i32
    %sign3A_3 = arith.constant 0 : i32
    %sign3A_4 = arith.cmpi slt, %add3A, %sign3A_3 : i32
    %sign3A_5 = arith.extui %sign3A_4 : i1 to i32
    %sign3A_6 = arith.subi %sign3A_2, %sign3A_5 : i32
    %sign3A_7 = arith.constant 0 : i32
    %sign3A_8 = arith.cmpi sgt, %jit3A, %sign3A_7 : i32
    %sign3A_9 = arith.extui %sign3A_8 : i1 to i32
    %sign3A_10 = arith.constant 0 : i32
    %sign3A_11 = arith.cmpi slt, %jit3A, %sign3A_10 : i32
    %sign3A_12 = arith.extui %sign3A_11 : i1 to i32
    %sign3A_13 = arith.subi %sign3A_9, %sign3A_12 : i32
    %ne3A = arith.cmpi ne, %sign3A_6, %sign3A_13 : i32
    %rem3A = arith.remsi %add3A, %jit3A : i32
    %ne3A_14 = arith.constant 0 : i32
    %ne3A_15 = arith.cmpi ne, %rem3A, %ne3A_14 : i32
    %and3A = arith.andi %ne3A, %ne3A_15 : i1
    %sub3A = arith.constant 1 : i32
    %sub3A_16 = arith.subi %div3A, %sub3A : i32
    %select_n3A = arith.select %and3A, %sub3A_16, %div3A : i32
    %mul3A_17 = arith.constant 262144 : i32
    %mul3A_18 = arith.muli %select_n3A, %mul3A_17 : i32
    %iota3A = tpu.iota {dimensions = array<i32: 0>} : vector<16xi32>
    %broadcast_in_dim3A = arith.constant 0 : i32
    %broadcast_in_dim3A_19 = vector.broadcast %broadcast_in_dim3A : i32 to vector<16xi32>
    %broadcast_in_dim3A_20 = arith.constant 1 : i32
    %broadcast_in_dim3A_21 = vector.broadcast %broadcast_in_dim3A_20 : i32 to vector<16xi32>
    %mul3A_22 = arith.constant 50000 : i32
    %mul3A_23 = arith.muli %add3A, %mul3A_22 : i32
    %add3A_24 = arith.constant 0 : i32
    %add3A_25 = arith.addi %mul3A_23, %add3A_24 : i32
    %run_scoped3A = arith.constant 0 : i32
    "tpu.region"() ({
      %run_scoped3A_61 = tpu.sem_alloc : memref<!tpu.dma_semaphore, #tpu.memory_space<semaphore_mem>>
      %dma_start3A_62 = arith.constant 0 : i32
      %dma_start3A_63 = tpu.memref_slice %arg7[%run_scoped3A, %dma_start3A_62] : memref<2x400xf32, #tpu.memory_space<vmem>> -> memref<1x400xf32, #tpu.memory_space<vmem>>
      %dma_start3A_64 = tpu.memref_squeeze %dma_start3A_63 : memref<1x400xf32, #tpu.memory_space<vmem>> -> memref<400xf32, #tpu.memory_space<vmem>>
      %dma_start3A_65 = tpu.memref_slice %arg4[%add3A_25] : memref<1600000xf32, #tpu.memory_space<hbm>> -> memref<400xf32, #tpu.memory_space<hbm>>
      %dma_start3A_66 = arith.constant 0 : i32
      %dma_start3A_67 = tpu.memref_slice %arg7[%run_scoped3A, %dma_start3A_66] : memref<2x400xf32, #tpu.memory_space<vmem>> -> memref<1x400xf32, #tpu.memory_space<vmem>>
      %dma_start3A_68 = tpu.memref_squeeze %dma_start3A_67 : memref<1x400xf32, #tpu.memory_space<vmem>> -> memref<400xf32, #tpu.memory_space<vmem>>
      %dma_start3A_69 = tpu.memref_slice %arg4[%add3A_25] : memref<1600000xf32, #tpu.memory_space<hbm>> -> memref<400xf32, #tpu.memory_space<hbm>>
      tpu.enqueue_dma source(%dma_start3A_69 : memref<400xf32, #tpu.memory_space<hbm>>) target(%dma_start3A_68 : memref<400xf32, #tpu.memory_space<vmem>>) target_semaphore(%run_scoped3A_61 : memref<!tpu.dma_semaphore, #tpu.memory_space<semaphore_mem>>)
      %dma_wait3A = arith.constant 0 : i32
      %dma_wait3A_70 = tpu.memref_slice %arg7[%run_scoped3A, %dma_wait3A] : memref<2x400xf32, #tpu.memory_space<vmem>> -> memref<1x400xf32, #tpu.memory_space<vmem>>
      %dma_wait3A_71 = tpu.memref_squeeze %dma_wait3A_70 : memref<1x400xf32, #tpu.memory_space<vmem>> -> memref<400xf32, #tpu.memory_space<vmem>>
      %dma_wait3A_72 = tpu.memref_slice %arg4[%add3A_25] : memref<1600000xf32, #tpu.memory_space<hbm>> -> memref<400xf32, #tpu.memory_space<hbm>>
      %dma_wait3A_73 = arith.constant 0 : i32
      %dma_wait3A_74 = tpu.memref_slice %arg7[%run_scoped3A, %dma_wait3A_73] : memref<2x400xf32, #tpu.memory_space<vmem>> -> memref<1x400xf32, #tpu.memory_space<vmem>>
      %dma_wait3A_75 = tpu.memref_squeeze %dma_wait3A_74 : memref<1x400xf32, #tpu.memory_space<vmem>> -> memref<400xf32, #tpu.memory_space<vmem>>
      %dma_wait3A_76 = tpu.memref_slice %arg4[%add3A_25] : memref<1600000xf32, #tpu.memory_space<hbm>> -> memref<400xf32, #tpu.memory_space<hbm>>
      tpu.wait_dma2 semaphore(%run_scoped3A_61 : memref<!tpu.dma_semaphore, #tpu.memory_space<semaphore_mem>>) src(%dma_wait3A_76 : memref<400xf32, #tpu.memory_space<hbm>>) dst(%dma_wait3A_75 : memref<400xf32, #tpu.memory_space<vmem>>)
      tpu.yield
    }) : () -> ()
    %run_scoped3A_26 = arith.constant 0 : i32
    "tpu.region"() ({
      %run_scoped3A_61 = tpu.sem_alloc : memref<!tpu.dma_semaphore, #tpu.memory_space<semaphore_mem>>
      %dma_start3A_62 = arith.constant 0 : i32
      %dma_start3A_63 = tpu.memref_slice %arg8[%run_scoped3A_26, %dma_start3A_62] : memref<2x400xf32, #tpu.memory_space<vmem>> -> memref<1x400xf32, #tpu.memory_space<vmem>>
      %dma_start3A_64 = tpu.memref_squeeze %dma_start3A_63 : memref<1x400xf32, #tpu.memory_space<vmem>> -> memref<400xf32, #tpu.memory_space<vmem>>
      %dma_start3A_65 = tpu.memref_slice %arg5[%add3A_25] : memref<1600000xf32, #tpu.memory_space<hbm>> -> memref<400xf32, #tpu.memory_space<hbm>>
      %dma_start3A_66 = arith.constant 0 : i32
      %dma_start3A_67 = tpu.memref_slice %arg8[%run_scoped3A_26, %dma_start3A_66] : memref<2x400xf32, #tpu.memory_space<vmem>> -> memref<1x400xf32, #tpu.memory_space<vmem>>
      %dma_start3A_68 = tpu.memref_squeeze %dma_start3A_67 : memref<1x400xf32, #tpu.memory_space<vmem>> -> memref<400xf32, #tpu.memory_space<vmem>>
      %dma_start3A_69 = tpu.memref_slice %arg5[%add3A_25] : memref<1600000xf32, #tpu.memory_space<hbm>> -> memref<400xf32, #tpu.memory_space<hbm>>
      tpu.enqueue_dma source(%dma_start3A_69 : memref<400xf32, #tpu.memory_space<hbm>>) target(%dma_start3A_68 : memref<400xf32, #tpu.memory_space<vmem>>) target_semaphore(%run_scoped3A_61 : memref<!tpu.dma_semaphore, #tpu.memory_space<semaphore_mem>>)
      %dma_wait3A = arith.constant 0 : i32
      %dma_wait3A_70 = tpu.memref_slice %arg8[%run_scoped3A_26, %dma_wait3A] : memref<2x400xf32, #tpu.memory_space<vmem>> -> memref<1x400xf32, #tpu.memory_space<vmem>>
      %dma_wait3A_71 = tpu.memref_squeeze %dma_wait3A_70 : memref<1x400xf32, #tpu.memory_space<vmem>> -> memref<400xf32, #tpu.memory_space<vmem>>
      %dma_wait3A_72 = tpu.memref_slice %arg5[%add3A_25] : memref<1600000xf32, #tpu.memory_space<hbm>> -> memref<400xf32, #tpu.memory_space<hbm>>
      %dma_wait3A_73 = arith.constant 0 : i32
      %dma_wait3A_74 = tpu.memref_slice %arg8[%run_scoped3A_26, %dma_wait3A_73] : memref<2x400xf32, #tpu.memory_space<vmem>> -> memref<1x400xf32, #tpu.memory_space<vmem>>
      %dma_wait3A_75 = tpu.memref_squeeze %dma_wait3A_74 : memref<1x400xf32, #tpu.memory_space<vmem>> -> memref<400xf32, #tpu.memory_space<vmem>>
      %dma_wait3A_76 = tpu.memref_slice %arg5[%add3A_25] : memref<1600000xf32, #tpu.memory_space<hbm>> -> memref<400xf32, #tpu.memory_space<hbm>>
      tpu.wait_dma2 semaphore(%run_scoped3A_61 : memref<!tpu.dma_semaphore, #tpu.memory_space<semaphore_mem>>) src(%dma_wait3A_76 : memref<400xf32, #tpu.memory_space<hbm>>) dst(%dma_wait3A_75 : memref<400xf32, #tpu.memory_space<vmem>>)
      tpu.yield
    }) : () -> ()
    %scan3A = arith.constant 0 : i32
    %scan3A_27 = arith.constant 0 : i32
    %scan3A_28 = arith.constant 25 : i32
    %scan3A_29 = arith.addi %scan3A_27, %scan3A_28 : i32
    %scan3A_30 = arith.constant 1 : i32
    scf.for %scan3A_61 = %scan3A_27 to %scan3A_29 step %scan3A_30  : i32 {
      %mul3A_62 = arith.constant 16 : i32
      %mul3A_63 = arith.muli %scan3A_61, %mul3A_62 : i32
      %get3A = arith.constant 0 : i32
      %get3A_64 = arith.index_cast %get3A : i32 to index
      %get3A_65 = arith.index_cast %mul3A_63 : i32 to index
      %get3A_66 = tpu.vector_load %arg7[%get3A_64, %get3A_65] {strides = array<i32>} : memref<2x400xf32, #tpu.memory_space<vmem>>, vector<16xf32>,
      %get3A_67 = arith.constant 0 : i32
      %get3A_68 = arith.index_cast %get3A_67 : i32 to index
      %get3A_69 = arith.index_cast %mul3A_63 : i32 to index
      %get3A_70 = tpu.vector_load %arg8[%get3A_68, %get3A_69] {strides = array<i32>} : memref<2x400xf32, #tpu.memory_space<vmem>>, vector<16xf32>,
      %convert_element_type3A = arith.fptosi %get3A_66 : vector<16xf32> to vector<16xi32>
      %min3A = arith.constant 510 : i32
      %min3A_71 = vector.broadcast %min3A : i32 to vector<16xi32>
      %min3A_72 = arith.minsi %convert_element_type3A, %min3A_71 : vector<16xi32>
      %convert_element_type3A_73 = arith.fptosi %get3A_70 : vector<16xf32> to vector<16xi32>
      %min3A_74 = arith.constant 510 : i32
      %min3A_75 = vector.broadcast %min3A_74 : i32 to vector<16xi32>
      %min3A_76 = arith.minsi %convert_element_type3A_73, %min3A_75 : vector<16xi32>
      %convert_element_type3A_77 = arith.sitofp %min3A_72 : vector<16xi32> to vector<16xf32>
      %sub3A_78 = arith.subf %get3A_66, %convert_element_type3A_77 : vector<16xf32>
      %convert_element_type3A_79 = arith.sitofp %min3A_76 : vector<16xi32> to vector<16xf32>
      %sub3A_80 = arith.subf %get3A_70, %convert_element_type3A_79 : vector<16xf32>
      %sub3A_81 = arith.constant 1.000000e+00 : f32
      %sub3A_82 = vector.broadcast %sub3A_81 : f32 to vector<16xf32>
      %sub3A_83 = arith.subf %sub3A_82, %sub3A_78 : vector<16xf32>
      %sub3A_84 = arith.constant 1.000000e+00 : f32
      %sub3A_85 = vector.broadcast %sub3A_84 : f32 to vector<16xf32>
      %sub3A_86 = arith.subf %sub3A_85, %sub3A_80 : vector<16xf32>
      %mul3A_87 = arith.constant 512 : i32
      %mul3A_88 = vector.broadcast %mul3A_87 : i32 to vector<16xi32>
      %mul3A_89 = arith.muli %min3A_72, %mul3A_88 : vector<16xi32>
      %add3A_90 = arith.addi %mul3A_89, %min3A_76 : vector<16xi32>
      %add3A_91 = vector.broadcast %mul3A_18 : i32 to vector<16xi32>
      %add3A_92 = arith.addi %add3A_90, %add3A_91 : vector<16xi32>
      %swap3A = arith.constant 0 : i32
      %swap3A_93 = arith.index_cast %swap3A : i32 to index
      %swap3A_94 = arith.index_cast %mul3A_63 : i32 to index
      %swap3A_95 = tpu.vector_load %arg9[%swap3A_93, %swap3A_94] {strides = array<i32>} : memref<2x1600xi32, #tpu.memory_space<vmem>>, vector<16xi32>,
      tpu.vector_store %arg9[%swap3A_93, %swap3A_94], %add3A_92 {strides = array<i32>} : memref<2x1600xi32, #tpu.memory_space<vmem>>, vector<16xi32>,
      %add3A_96 = arith.constant 1 : i32
      %add3A_97 = vector.broadcast %add3A_96 : i32 to vector<16xi32>
      %add3A_98 = arith.addi %add3A_92, %add3A_97 : vector<16xi32>
      %mul3A_99 = arith.constant 16 : i32
      %mul3A_100 = arith.muli %scan3A_61, %mul3A_99 : i32
      %add3A_101 = arith.constant 400 : i32
      %add3A_102 = arith.addi %add3A_101, %mul3A_100 : i32
      %swap3A_103 = arith.constant 0 : i32
      %swap3A_104 = arith.index_cast %swap3A_103 : i32 to index
      %swap3A_105 = arith.index_cast %add3A_102 : i32 to index
      %swap3A_106 = tpu.vector_load %arg9[%swap3A_104, %swap3A_105] {strides = array<i32>} : memref<2x1600xi32, #tpu.memory_space<vmem>>, vector<16xi32>,
      tpu.vector_store %arg9[%swap3A_104, %swap3A_105], %add3A_98 {strides = array<i32>} : memref<2x1600xi32, #tpu.memory_space<vmem>>, vector<16xi32>,
      %add3A_107 = arith.constant 512 : i32
      %add3A_108 = vector.broadcast %add3A_107 : i32 to vector<16xi32>
      %add3A_109 = arith.addi %add3A_92, %add3A_108 : vector<16xi32>
      %mul3A_110 = arith.constant 16 : i32
      %mul3A_111 = arith.muli %scan3A_61, %mul3A_110 : i32
      %add3A_112 = arith.constant 800 : i32
      %add3A_113 = arith.addi %add3A_112, %mul3A_111 : i32
      %swap3A_114 = arith.constant 0 : i32
      %swap3A_115 = arith.index_cast %swap3A_114 : i32 to index
      %swap3A_116 = arith.index_cast %add3A_113 : i32 to index
      %swap3A_117 = tpu.vector_load %arg9[%swap3A_115, %swap3A_116] {strides = array<i32>} : memref<2x1600xi32, #tpu.memory_space<vmem>>, vector<16xi32>,
      tpu.vector_store %arg9[%swap3A_115, %swap3A_116], %add3A_109 {strides = array<i32>} : memref<2x1600xi32, #tpu.memory_space<vmem>>, vector<16xi32>,
      %add3A_118 = arith.constant 512 : i32
      %add3A_119 = vector.broadcast %add3A_118 : i32 to vector<16xi32>
      %add3A_120 = arith.addi %add3A_92, %add3A_119 : vector<16xi32>
      %add3A_121 = arith.constant 1 : i32
      %add3A_122 = vector.broadcast %add3A_121 : i32 to vector<16xi32>
      %add3A_123 = arith.addi %add3A_120, %add3A_122 : vector<16xi32>
      %mul3A_124 = arith.constant 16 : i32
      %mul3A_125 = arith.muli %scan3A_61, %mul3A_124 : i32
      %add3A_126 = arith.constant 1200 : i32
      %add3A_127 = arith.addi %add3A_126, %mul3A_125 : i32
      %swap3A_128 = arith.constant 0 : i32
      %swap3A_129 = arith.index_cast %swap3A_128 : i32 to index
      %swap3A_130 = arith.index_cast %add3A_127 : i32 to index
      %swap3A_131 = tpu.vector_load %arg9[%swap3A_129, %swap3A_130] {strides = array<i32>} : memref<2x1600xi32, #tpu.memory_space<vmem>>, vector<16xi32>,
      tpu.vector_store %arg9[%swap3A_129, %swap3A_130], %add3A_123 {strides = array<i32>} : memref<2x1600xi32, #tpu.memory_space<vmem>>, vector<16xi32>,
      %mul3A_132 = arith.mulf %sub3A_83, %sub3A_86 : vector<16xf32>
      %swap3A_133 = arith.constant 0 : i32
      %swap3A_134 = arith.index_cast %swap3A_133 : i32 to index
      %swap3A_135 = arith.index_cast %mul3A_63 : i32 to index
      %swap3A_136 = tpu.vector_load %arg10[%swap3A_134, %swap3A_135] {strides = array<i32>} : memref<2x400xf32, #tpu.memory_space<vmem>>, vector<16xf32>,
      tpu.vector_store %arg10[%swap3A_134, %swap3A_135], %mul3A_132 {strides = array<i32>} : memref<2x400xf32, #tpu.memory_space<vmem>>, vector<16xf32>,
      %mul3A_137 = arith.mulf %sub3A_83, %sub3A_80 : vector<16xf32>
      %swap3A_138 = arith.constant 0 : i32
      %swap3A_139 = arith.index_cast %swap3A_138 : i32 to index
      %swap3A_140 = arith.index_cast %mul3A_63 : i32 to index
      %swap3A_141 = tpu.vector_load %arg11[%swap3A_139, %swap3A_140] {strides = array<i32>} : memref<2x400xf32, #tpu.memory_space<vmem>>, vector<16xf32>,
      tpu.vector_store %arg11[%swap3A_139, %swap3A_140], %mul3A_137 {strides = array<i32>} : memref<2x400xf32, #tpu.memory_space<vmem>>, vector<16xf32>,
      %mul3A_142 = arith.mulf %sub3A_78, %sub3A_86 : vector<16xf32>
      %swap3A_143 = arith.constant 0 : i32
      %swap3A_144 = arith.index_cast %swap3A_143 : i32 to index
      %swap3A_145 = arith.index_cast %mul3A_63 : i32 to index
      %swap3A_146 = tpu.vector_load %arg12[%swap3A_144, %swap3A_145] {strides = array<i32>} : memref<2x400xf32, #tpu.memory_space<vmem>>, vector<16xf32>,
      tpu.vector_store %arg12[%swap3A_144, %swap3A_145], %mul3A_142 {strides = array<i32>} : memref<2x400xf32, #tpu.memory_space<vmem>>, vector<16xf32>,
      %mul3A_147 = arith.mulf %sub3A_78, %sub3A_80 : vector<16xf32>
      %swap3A_148 = arith.constant 0 : i32
      %swap3A_149 = arith.index_cast %swap3A_148 : i32 to index
      %swap3A_150 = arith.index_cast %mul3A_63 : i32 to index
      %swap3A_151 = tpu.vector_load %arg13[%swap3A_149, %swap3A_150] {strides = array<i32>} : memref<2x400xf32, #tpu.memory_space<vmem>>, vector<16xf32>,
      tpu.vector_store %arg13[%swap3A_149, %swap3A_150], %mul3A_147 {strides = array<i32>} : memref<2x400xf32, #tpu.memory_space<vmem>>, vector<16xf32>,
    }
    %scan3A_31 = arith.constant 25 : i32
    %dma_start3A = arith.constant 0 : i32
    %dma_start3A_32 = arith.constant 0 : i32
    %dma_start3A_33 = arith.constant 0 : i32
    %dma_start3A_34 = tpu.memref_slice %arg14[%dma_start3A_32, %dma_start3A_33] : memref<2x1600xf32, #tpu.memory_space<vmem>> -> memref<1x1600xf32, #tpu.memory_space<vmem>>
    %dma_start3A_35 = tpu.memref_squeeze %dma_start3A_34 : memref<1x1600xf32, #tpu.memory_space<vmem>> -> memref<1600xf32, #tpu.memory_space<vmem>>
    %dma_start3A_36 = arith.constant 0 : i32
    %dma_start3A_37 = tpu.memref_slice %arg9[%dma_start3A, %dma_start3A_36] : memref<2x1600xi32, #tpu.memory_space<vmem>> -> memref<1x1600xi32, #tpu.memory_space<vmem>>
    %dma_start3A_38 = tpu.memref_squeeze %dma_start3A_37 : memref<1x1600xi32, #tpu.memory_space<vmem>> -> memref<1600xi32, #tpu.memory_space<vmem>>
    %dma_start3A_39 = arith.constant 0 : i32
    %dma_start3A_40 = tpu.memref_slice %arg2[%dma_start3A_39] : memref<2097152xf32, #tpu.memory_space<hbm>> -> memref<2097152xf32, #tpu.memory_space<hbm>>
    tpu.enqueue_indirect_dma source(%dma_start3A_40 : memref<2097152xf32, #tpu.memory_space<hbm>>) target(%dma_start3A_35 : memref<1600xf32, #tpu.memory_space<vmem>>) offsets(%dma_start3A_38 : memref<1600xi32, #tpu.memory_space<vmem>>) semaphore(%arg17 : memref<!tpu.dma_semaphore, #tpu.memory_space<semaphore_mem>>)
    %dma_start3A_41 = arith.constant 0 : i32
    %dma_start3A_42 = arith.constant 0 : i32
    %dma_start3A_43 = arith.constant 0 : i32
    %dma_start3A_44 = tpu.memref_slice %arg15[%dma_start3A_42, %dma_start3A_43] : memref<2x1600xf32, #tpu.memory_space<vmem>> -> memref<1x1600xf32, #tpu.memory_space<vmem>>
    %dma_start3A_45 = tpu.memref_squeeze %dma_start3A_44 : memref<1x1600xf32, #tpu.memory_space<vmem>> -> memref<1600xf32, #tpu.memory_space<vmem>>
    %dma_start3A_46 = arith.constant 0 : i32
    %dma_start3A_47 = tpu.memref_slice %arg9[%dma_start3A_41, %dma_start3A_46] : memref<2x1600xi32, #tpu.memory_space<vmem>> -> memref<1x1600xi32, #tpu.memory_space<vmem>>
    %dma_start3A_48 = tpu.memref_squeeze %dma_start3A_47 : memref<1x1600xi32, #tpu.memory_space<vmem>> -> memref<1600xi32, #tpu.memory_space<vmem>>
    %dma_start3A_49 = arith.constant 0 : i32
    %dma_start3A_50 = tpu.memref_slice %arg3[%dma_start3A_49] : memref<2097152xf32, #tpu.memory_space<hbm>> -> memref<2097152xf32, #tpu.memory_space<hbm>>
    tpu.enqueue_indirect_dma source(%dma_start3A_50 : memref<2097152xf32, #tpu.memory_space<hbm>>) target(%dma_start3A_45 : memref<1600xf32, #tpu.memory_space<vmem>>) offsets(%dma_start3A_48 : memref<1600xi32, #tpu.memory_space<vmem>>) semaphore(%arg17 : memref<!tpu.dma_semaphore, #tpu.memory_space<semaphore_mem>>)
    %add3A_51 = arith.constant 400 : i32
    %add3A_52 = arith.addi %mul3A_23, %add3A_51 : i32
    %run_scoped3A_53 = arith.constant 1 : i32
    "tpu.region"() ({
      %run_scoped3A_61 = tpu.sem_alloc : memref<!tpu.dma_semaphore, #tpu.memory_space<semaphore_mem>>
      %dma_start3A_62 = arith.constant 0 : i32
      %dma_start3A_63 = tpu.memref_slice %arg7[%run_scoped3A_53, %dma_start3A_62] : memref<2x400xf32, #tpu.memory_space<vmem>> -> memref<1x400xf32, #tpu.memory_space<vmem>>
      %dma_start3A_64 = tpu.memref_squeeze %dma_start3A_63 : memref<1x400xf32, #tpu.memory_space<vmem>> -> memref<400xf32, #tpu.memory_space<vmem>>
      %dma_start3A_65 = tpu.memref_slice %arg4[%add3A_52] : memref<1600000xf32, #tpu.memory_space<hbm>> -> memref<400xf32, #tpu.memory_space<hbm>>
      %dma_start3A_66 = arith.constant 0 : i32
      %dma_start3A_67 = tpu.memref_slice %arg7[%run_scoped3A_53, %dma_start3A_66] : memref<2x400xf32, #tpu.memory_space<vmem>> -> memref<1x400xf32, #tpu.memory_space<vmem>>
      %dma_start3A_68 = tpu.memref_squeeze %dma_start3A_67 : memref<1x400xf32, #tpu.memory_space<vmem>> -> memref<400xf32, #tpu.memory_space<vmem>>
      %dma_start3A_69 = tpu.memref_slice %arg4[%add3A_52] : memref<1600000xf32, #tpu.memory_space<hbm>> -> memref<400xf32, #tpu.memory_space<hbm>>
      tpu.enqueue_dma source(%dma_start3A_69 : memref<400xf32, #tpu.memory_space<hbm>>) target(%dma_start3A_68 : memref<400xf32, #tpu.memory_space<vmem>>) target_semaphore(%run_scoped3A_61 : memref<!tpu.dma_semaphore, #tpu.memory_space<semaphore_mem>>)
      %dma_wait3A = arith.constant 0 : i32
      %dma_wait3A_70 = tpu.memref_slice %arg7[%run_scoped3A_53, %dma_wait3A] : memref<2x400xf32, #tpu.memory_space<vmem>> -> memref<1x400xf32, #tpu.memory_space<vmem>>
      %dma_wait3A_71 = tpu.memref_squeeze %dma_wait3A_70 : memref<1x400xf32, #tpu.memory_space<vmem>> -> memref<400xf32, #tpu.memory_space<vmem>>
      %dma_wait3A_72 = tpu.memref_slice %arg4[%add3A_52] : memref<1600000xf32, #tpu.memory_space<hbm>> -> memref<400xf32, #tpu.memory_space<hbm>>
      %dma_wait3A_73 = arith.constant 0 : i32
      %dma_wait3A_74 = tpu.memref_slice %arg7[%run_scoped3A_53, %dma_wait3A_73] : memref<2x400xf32, #tpu.memory_space<vmem>> -> memref<1x400xf32, #tpu.memory_space<vmem>>
      %dma_wait3A_75 = tpu.memref_squeeze %dma_wait3A_74 : memref<1x400xf32, #tpu.memory_space<vmem>> -> memref<400xf32, #tpu.memory_space<vmem>>
      %dma_wait3A_76 = tpu.memref_slice %arg4[%add3A_52] : memref<1600000xf32, #tpu.memory_space<hbm>> -> memref<400xf32, #tpu.memory_space<hbm>>
      tpu.wait_dma2 semaphore(%run_scoped3A_61 : memref<!tpu.dma_semaphore, #tpu.memory_space<semaphore_mem>>) src(%dma_wait3A_76 : memref<400xf32, #tpu.memory_space<hbm>>) dst(%dma_wait3A_75 : memref<400xf32, #tpu.memory_space<vmem>>)
      tpu.yield
    }) : () -> ()
    %run_scoped3A_54 = arith.constant 1 : i32
    "tpu.region"() ({
      %run_scoped3A_61 = tpu.sem_alloc : memref<!tpu.dma_semaphore, #tpu.memory_space<semaphore_mem>>
      %dma_start3A_62 = arith.constant 0 : i32
      %dma_start3A_63 = tpu.memref_slice %arg8[%run_scoped3A_54, %dma_start3A_62] : memref<2x400xf32, #tpu.memory_space<vmem>> -> memref<1x400xf32, #tpu.memory_space<vmem>>
      %dma_start3A_64 = tpu.memref_squeeze %dma_start3A_63 : memref<1x400xf32, #tpu.memory_space<vmem>> -> memref<400xf32, #tpu.memory_space<vmem>>
      %dma_start3A_65 = tpu.memref_slice %arg5[%add3A_52] : memref<1600000xf32, #tpu.memory_space<hbm>> -> memref<400xf32, #tpu.memory_space<hbm>>
      %dma_start3A_66 = arith.constant 0 : i32
      %dma_start3A_67 = tpu.memref_slice %arg8[%run_scoped3A_54, %dma_start3A_66] : memref<2x400xf32, #tpu.memory_space<vmem>> -> memref<1x400xf32, #tpu.memory_space<vmem>>
      %dma_start3A_68 = tpu.memref_squeeze %dma_start3A_67 : memref<1x400xf32, #tpu.memory_space<vmem>> -> memref<400xf32, #tpu.memory_space<vmem>>
      %dma_start3A_69 = tpu.memref_slice %arg5[%add3A_52] : memref<1600000xf32, #tpu.memory_space<hbm>> -> memref<400xf32, #tpu.memory_space<hbm>>
      tpu.enqueue_dma source(%dma_start3A_69 : memref<400xf32, #tpu.memory_space<hbm>>) target(%dma_start3A_68 : memref<400xf32, #tpu.memory_space<vmem>>) target_semaphore(%run_scoped3A_61 : memref<!tpu.dma_semaphore, #tpu.memory_space<semaphore_mem>>)
      %dma_wait3A = arith.constant 0 : i32
      %dma_wait3A_70 = tpu.memref_slice %arg8[%run_scoped3A_54, %dma_wait3A] : memref<2x400xf32, #tpu.memory_space<vmem>> -> memref<1x400xf32, #tpu.memory_space<vmem>>
      %dma_wait3A_71 = tpu.memref_squeeze %dma_wait3A_70 : memref<1x400xf32, #tpu.memory_space<vmem>> -> memref<400xf32, #tpu.memory_space<vmem>>
      %dma_wait3A_72 = tpu.memref_slice %arg5[%add3A_52] : memref<1600000xf32, #tpu.memory_space<hbm>> -> memref<400xf32, #tpu.memory_space<hbm>>
      %dma_wait3A_73 = arith.constant 0 : i32
      %dma_wait3A_74 = tpu.memref_slice %arg8[%run_scoped3A_54, %dma_wait3A_73] : memref<2x400xf32, #tpu.memory_space<vmem>> -> memref<1x400xf32, #tpu.memory_space<vmem>>
      %dma_wait3A_75 = tpu.memref_squeeze %dma_wait3A_74 : memref<1x400xf32, #tpu.memory_space<vmem>> -> memref<400xf32, #tpu.memory_space<vmem>>
      %dma_wait3A_76 = tpu.memref_slice %arg5[%add3A_52] : memref<1600000xf32, #tpu.memory_space<hbm>> -> memref<400xf32, #tpu.memory_space<hbm>>
      tpu.wait_dma2 semaphore(%run_scoped3A_61 : memref<!tpu.dma_semaphore, #tpu.memory_space<semaphore_mem>>) src(%dma_wait3A_76 : memref<400xf32, #tpu.memory_space<hbm>>) dst(%dma_wait3A_75 : memref<400xf32, #tpu.memory_space<vmem>>)
      tpu.yield
    }) : () -> ()
    %scan3A_55 = arith.constant 0 : i32
    %scan3A_56 = arith.constant 0 : i32
    %scan3A_57 = arith.constant 125 : i32
    %scan3A_58 = arith.addi %scan3A_56, %scan3A_57 : i32
    %scan3A_59 = arith.constant 1 : i32
    scf.for %scan3A_61 = %scan3A_56 to %scan3A_58 step %scan3A_59  : i32 {
      %rem3A_62 = arith.constant 2 : i32
      %rem3A_63 = arith.remsi %scan3A_61, %rem3A_62 : i32
      %sub3A_64 = arith.constant 1 : i32
      %sub3A_65 = arith.subi %sub3A_64, %rem3A_63 : i32
      %lt3A = arith.constant 124 : i32
      %lt3A_66 = arith.cmpi slt, %scan3A_61, %lt3A : i32
      %convert_element_type3A = arith.extui %lt3A_66 : i1 to i32
      %cond3A = arith.constant 0 : i32
      %cond3A_67 = arith.cmpi ne, %convert_element_type3A, %cond3A : i32
      scf.if %cond3A_67 {
        %scan3A_102 = arith.constant 0 : i32
        %scan3A_103 = arith.constant 0 : i32
        %scan3A_104 = arith.constant 25 : i32
        %scan3A_105 = arith.addi %scan3A_103, %scan3A_104 : i32
        %scan3A_106 = arith.constant 1 : i32
        scf.for %scan3A_108 = %scan3A_103 to %scan3A_105 step %scan3A_106  : i32 {
          %mul3A_109 = arith.constant 16 : i32
          %mul3A_110 = arith.muli %scan3A_108, %mul3A_109 : i32
          %get3A = arith.index_cast %sub3A_65 : i32 to index
          %get3A_111 = arith.index_cast %mul3A_110 : i32 to index
          %get3A_112 = tpu.vector_load %arg7[%get3A, %get3A_111] {strides = array<i32>} : memref<2x400xf32, #tpu.memory_space<vmem>>, vector<16xf32>,
          %get3A_113 = arith.index_cast %sub3A_65 : i32 to index
          %get3A_114 = arith.index_cast %mul3A_110 : i32 to index
          %get3A_115 = tpu.vector_load %arg8[%get3A_113, %get3A_114] {strides = array<i32>} : memref<2x400xf32, #tpu.memory_space<vmem>>, vector<16xf32>,
          %convert_element_type3A_116 = arith.fptosi %get3A_112 : vector<16xf32> to vector<16xi32>
          %min3A = arith.constant 510 : i32
          %min3A_117 = vector.broadcast %min3A : i32 to vector<16xi32>
          %min3A_118 = arith.minsi %convert_element_type3A_116, %min3A_117 : vector<16xi32>
          %convert_element_type3A_119 = arith.fptosi %get3A_115 : vector<16xf32> to vector<16xi32>
          %min3A_120 = arith.constant 510 : i32
          %min3A_121 = vector.broadcast %min3A_120 : i32 to vector<16xi32>
          %min3A_122 = arith.minsi %convert_element_type3A_119, %min3A_121 : vector<16xi32>
          %convert_element_type3A_123 = arith.sitofp %min3A_118 : vector<16xi32> to vector<16xf32>
          %sub3A_124 = arith.subf %get3A_112, %convert_element_type3A_123 : vector<16xf32>
          %convert_element_type3A_125 = arith.sitofp %min3A_122 : vector<16xi32> to vector<16xf32>
          %sub3A_126 = arith.subf %get3A_115, %convert_element_type3A_125 : vector<16xf32>
          %sub3A_127 = arith.constant 1.000000e+00 : f32
          %sub3A_128 = vector.broadcast %sub3A_127 : f32 to vector<16xf32>
          %sub3A_129 = arith.subf %sub3A_128, %sub3A_124 : vector<16xf32>
          %sub3A_130 = arith.constant 1.000000e+00 : f32
          %sub3A_131 = vector.broadcast %sub3A_130 : f32 to vector<16xf32>
          %sub3A_132 = arith.subf %sub3A_131, %sub3A_126 : vector<16xf32>
          %mul3A_133 = arith.constant 512 : i32
          %mul3A_134 = vector.broadcast %mul3A_133 : i32 to vector<16xi32>
          %mul3A_135 = arith.muli %min3A_118, %mul3A_134 : vector<16xi32>
          %add3A_136 = arith.addi %mul3A_135, %min3A_122 : vector<16xi32>
          %add3A_137 = vector.broadcast %mul3A_18 : i32 to vector<16xi32>
          %add3A_138 = arith.addi %add3A_136, %add3A_137 : vector<16xi32>
          %swap3A = arith.index_cast %sub3A_65 : i32 to index
          %swap3A_139 = arith.index_cast %mul3A_110 : i32 to index
          %swap3A_140 = tpu.vector_load %arg9[%swap3A, %swap3A_139] {strides = array<i32>} : memref<2x1600xi32, #tpu.memory_space<vmem>>, vector<16xi32>,
          tpu.vector_store %arg9[%swap3A, %swap3A_139], %add3A_138 {strides = array<i32>} : memref<2x1600xi32, #tpu.memory_space<vmem>>, vector<16xi32>,
          %add3A_141 = arith.constant 1 : i32
          %add3A_142 = vector.broadcast %add3A_141 : i32 to vector<16xi32>
          %add3A_143 = arith.addi %add3A_138, %add3A_142 : vector<16xi32>
          %mul3A_144 = arith.constant 16 : i32
          %mul3A_145 = arith.muli %scan3A_108, %mul3A_144 : i32
          %add3A_146 = arith.constant 400 : i32
          %add3A_147 = arith.addi %add3A_146, %mul3A_145 : i32
          %swap3A_148 = arith.index_cast %sub3A_65 : i32 to index
          %swap3A_149 = arith.index_cast %add3A_147 : i32 to index
          %swap3A_150 = tpu.vector_load %arg9[%swap3A_148, %swap3A_149] {strides = array<i32>} : memref<2x1600xi32, #tpu.memory_space<vmem>>, vector<16xi32>,
          tpu.vector_store %arg9[%swap3A_148, %swap3A_149], %add3A_143 {strides = array<i32>} : memref<2x1600xi32, #tpu.memory_space<vmem>>, vector<16xi32>,
          %add3A_151 = arith.constant 512 : i32
          %add3A_152 = vector.broadcast %add3A_151 : i32 to vector<16xi32>
          %add3A_153 = arith.addi %add3A_138, %add3A_152 : vector<16xi32>
          %mul3A_154 = arith.constant 16 : i32
          %mul3A_155 = arith.muli %scan3A_108, %mul3A_154 : i32
          %add3A_156 = arith.constant 800 : i32
          %add3A_157 = arith.addi %add3A_156, %mul3A_155 : i32
          %swap3A_158 = arith.index_cast %sub3A_65 : i32 to index
          %swap3A_159 = arith.index_cast %add3A_157 : i32 to index
          %swap3A_160 = tpu.vector_load %arg9[%swap3A_158, %swap3A_159] {strides = array<i32>} : memref<2x1600xi32, #tpu.memory_space<vmem>>, vector<16xi32>,
          tpu.vector_store %arg9[%swap3A_158, %swap3A_159], %add3A_153 {strides = array<i32>} : memref<2x1600xi32, #tpu.memory_space<vmem>>, vector<16xi32>,
          %add3A_161 = arith.constant 512 : i32
          %add3A_162 = vector.broadcast %add3A_161 : i32 to vector<16xi32>
          %add3A_163 = arith.addi %add3A_138, %add3A_162 : vector<16xi32>
          %add3A_164 = arith.constant 1 : i32
          %add3A_165 = vector.broadcast %add3A_164 : i32 to vector<16xi32>
          %add3A_166 = arith.addi %add3A_163, %add3A_165 : vector<16xi32>
          %mul3A_167 = arith.constant 16 : i32
          %mul3A_168 = arith.muli %scan3A_108, %mul3A_167 : i32
          %add3A_169 = arith.constant 1200 : i32
          %add3A_170 = arith.addi %add3A_169, %mul3A_168 : i32
          %swap3A_171 = arith.index_cast %sub3A_65 : i32 to index
          %swap3A_172 = arith.index_cast %add3A_170 : i32 to index
          %swap3A_173 = tpu.vector_load %arg9[%swap3A_171, %swap3A_172] {strides = array<i32>} : memref<2x1600xi32, #tpu.memory_space<vmem>>, vector<16xi32>,
          tpu.vector_store %arg9[%swap3A_171, %swap3A_172], %add3A_166 {strides = array<i32>} : memref<2x1600xi32, #tpu.memory_space<vmem>>, vector<16xi32>,
          %mul3A_174 = arith.mulf %sub3A_129, %sub3A_132 : vector<16xf32>
          %swap3A_175 = arith.index_cast %sub3A_65 : i32 to index
          %swap3A_176 = arith.index_cast %mul3A_110 : i32 to index
          %swap3A_177 = tpu.vector_load %arg10[%swap3A_175, %swap3A_176] {strides = array<i32>} : memref<2x400xf32, #tpu.memory_space<vmem>>, vector<16xf32>,
          tpu.vector_store %arg10[%swap3A_175, %swap3A_176], %mul3A_174 {strides = array<i32>} : memref<2x400xf32, #tpu.memory_space<vmem>>, vector<16xf32>,
          %mul3A_178 = arith.mulf %sub3A_129, %sub3A_126 : vector<16xf32>
          %swap3A_179 = arith.index_cast %sub3A_65 : i32 to index
          %swap3A_180 = arith.index_cast %mul3A_110 : i32 to index
          %swap3A_181 = tpu.vector_load %arg11[%swap3A_179, %swap3A_180] {strides = array<i32>} : memref<2x400xf32, #tpu.memory_space<vmem>>, vector<16xf32>,
          tpu.vector_store %arg11[%swap3A_179, %swap3A_180], %mul3A_178 {strides = array<i32>} : memref<2x400xf32, #tpu.memory_space<vmem>>, vector<16xf32>,
          %mul3A_182 = arith.mulf %sub3A_124, %sub3A_132 : vector<16xf32>
          %swap3A_183 = arith.index_cast %sub3A_65 : i32 to index
          %swap3A_184 = arith.index_cast %mul3A_110 : i32 to index
          %swap3A_185 = tpu.vector_load %arg12[%swap3A_183, %swap3A_184] {strides = array<i32>} : memref<2x400xf32, #tpu.memory_space<vmem>>, vector<16xf32>,
          tpu.vector_store %arg12[%swap3A_183, %swap3A_184], %mul3A_182 {strides = array<i32>} : memref<2x400xf32, #tpu.memory_space<vmem>>, vector<16xf32>,
          %mul3A_186 = arith.mulf %sub3A_124, %sub3A_126 : vector<16xf32>
          %swap3A_187 = arith.index_cast %sub3A_65 : i32 to index
          %swap3A_188 = arith.index_cast %mul3A_110 : i32 to index
          %swap3A_189 = tpu.vector_load %arg13[%swap3A_187, %swap3A_188] {strides = array<i32>} : memref<2x400xf32, #tpu.memory_space<vmem>>, vector<16xf32>,
          tpu.vector_store %arg13[%swap3A_187, %swap3A_188], %mul3A_186 {strides = array<i32>} : memref<2x400xf32, #tpu.memory_space<vmem>>, vector<16xf32>,
        }
        %scan3A_107 = arith.constant 25 : i32
      } else {
      }
      %dma_wait3A = arith.constant 0 : i32
      %dma_wait3A_68 = tpu.memref_slice %arg14[%rem3A_63, %dma_wait3A] : memref<2x1600xf32, #tpu.memory_space<vmem>> -> memref<1x1600xf32, #tpu.memory_space<vmem>>
      %dma_wait3A_69 = tpu.memref_squeeze %dma_wait3A_68 : memref<1x1600xf32, #tpu.memory_space<vmem>> -> memref<1600xf32, #tpu.memory_space<vmem>>
      %dma_wait3A_70 = arith.constant 0 : i32
      %dma_wait3A_71 = tpu.memref_slice %arg9[%rem3A_63, %dma_wait3A_70] : memref<2x1600xi32, #tpu.memory_space<vmem>> -> memref<1x1600xi32, #tpu.memory_space<vmem>>
      %dma_wait3A_72 = tpu.memref_squeeze %dma_wait3A_71 : memref<1x1600xi32, #tpu.memory_space<vmem>> -> memref<1600xi32, #tpu.memory_space<vmem>>
      %dma_wait3A_73 = arith.constant 0 : i32
      %dma_wait3A_74 = tpu.memref_slice %arg2[%dma_wait3A_73] : memref<2097152xf32, #tpu.memory_space<hbm>> -> memref<2097152xf32, #tpu.memory_space<hbm>>
      tpu.wait_indirect_dma semaphore(%arg17 : memref<!tpu.dma_semaphore, #tpu.memory_space<semaphore_mem>>) src(%dma_wait3A_74 : memref<2097152xf32, #tpu.memory_space<hbm>>) dst(%dma_wait3A_69 : memref<1600xf32, #tpu.memory_space<vmem>>)
      %dma_wait3A_75 = arith.constant 0 : i32
      %dma_wait3A_76 = tpu.memref_slice %arg15[%rem3A_63, %dma_wait3A_75] : memref<2x1600xf32, #tpu.memory_space<vmem>> -> memref<1x1600xf32, #tpu.memory_space<vmem>>
      %dma_wait3A_77 = tpu.memref_squeeze %dma_wait3A_76 : memref<1x1600xf32, #tpu.memory_space<vmem>> -> memref<1600xf32, #tpu.memory_space<vmem>>
      %dma_wait3A_78 = arith.constant 0 : i32
      %dma_wait3A_79 = tpu.memref_slice %arg9[%rem3A_63, %dma_wait3A_78] : memref<2x1600xi32, #tpu.memory_space<vmem>> -> memref<1x1600xi32, #tpu.memory_space<vmem>>
      %dma_wait3A_80 = tpu.memref_squeeze %dma_wait3A_79 : memref<1x1600xi32, #tpu.memory_space<vmem>> -> memref<1600xi32, #tpu.memory_space<vmem>>
      %dma_wait3A_81 = arith.constant 0 : i32
      %dma_wait3A_82 = tpu.memref_slice %arg3[%dma_wait3A_81] : memref<2097152xf32, #tpu.memory_space<hbm>> -> memref<2097152xf32, #tpu.memory_space<hbm>>
      tpu.wait_indirect_dma semaphore(%arg17 : memref<!tpu.dma_semaphore, #tpu.memory_space<semaphore_mem>>) src(%dma_wait3A_82 : memref<2097152xf32, #tpu.memory_space<hbm>>) dst(%dma_wait3A_77 : memref<1600xf32, #tpu.memory_space<vmem>>)
      %lt3A_83 = arith.constant 124 : i32
      %lt3A_84 = arith.cmpi slt, %scan3A_61, %lt3A_83 : i32
      %convert_element_type3A_85 = arith.extui %lt3A_84 : i1 to i32
      %cond3A_86 = arith.constant 0 : i32
      %cond3A_87 = arith.cmpi ne, %convert_element_type3A_85, %cond3A_86 : i32
      scf.if %cond3A_87 {
        %dma_start3A_102 = arith.constant 0 : i32
        %dma_start3A_103 = tpu.memref_slice %arg14[%sub3A_65, %dma_start3A_102] : memref<2x1600xf32, #tpu.memory_space<vmem>> -> memref<1x1600xf32, #tpu.memory_space<vmem>>
        %dma_start3A_104 = tpu.memref_squeeze %dma_start3A_103 : memref<1x1600xf32, #tpu.memory_space<vmem>> -> memref<1600xf32, #tpu.memory_space<vmem>>
        %dma_start3A_105 = arith.constant 0 : i32
        %dma_start3A_106 = tpu.memref_slice %arg9[%sub3A_65, %dma_start3A_105] : memref<2x1600xi32, #tpu.memory_space<vmem>> -> memref<1x1600xi32, #tpu.memory_space<vmem>>
        %dma_start3A_107 = tpu.memref_squeeze %dma_start3A_106 : memref<1x1600xi32, #tpu.memory_space<vmem>> -> memref<1600xi32, #tpu.memory_space<vmem>>
        %dma_start3A_108 = arith.constant 0 : i32
        %dma_start3A_109 = tpu.memref_slice %arg2[%dma_start3A_108] : memref<2097152xf32, #tpu.memory_space<hbm>> -> memref<2097152xf32, #tpu.memory_space<hbm>>
        tpu.enqueue_indirect_dma source(%dma_start3A_109 : memref<2097152xf32, #tpu.memory_space<hbm>>) target(%dma_start3A_104 : memref<1600xf32, #tpu.memory_space<vmem>>) offsets(%dma_start3A_107 : memref<1600xi32, #tpu.memory_space<vmem>>) semaphore(%arg17 : memref<!tpu.dma_semaphore, #tpu.memory_space<semaphore_mem>>)
        %dma_start3A_110 = arith.constant 0 : i32
        %dma_start3A_111 = tpu.memref_slice %arg15[%sub3A_65, %dma_start3A_110] : memref<2x1600xf32, #tpu.memory_space<vmem>> -> memref<1x1600xf32, #tpu.memory_space<vmem>>
        %dma_start3A_112 = tpu.memref_squeeze %dma_start3A_111 : memref<1x1600xf32, #tpu.memory_space<vmem>> -> memref<1600xf32, #tpu.memory_space<vmem>>
        %dma_start3A_113 = arith.constant 0 : i32
        %dma_start3A_114 = tpu.memref_slice %arg9[%sub3A_65, %dma_start3A_113] : memref<2x1600xi32, #tpu.memory_space<vmem>> -> memref<1x1600xi32, #tpu.memory_space<vmem>>
        %dma_start3A_115 = tpu.memref_squeeze %dma_start3A_114 : memref<1x1600xi32, #tpu.memory_space<vmem>> -> memref<1600xi32, #tpu.memory_space<vmem>>
        %dma_start3A_116 = arith.constant 0 : i32
        %dma_start3A_117 = tpu.memref_slice %arg3[%dma_start3A_116] : memref<2097152xf32, #tpu.memory_space<hbm>> -> memref<2097152xf32, #tpu.memory_space<hbm>>
        tpu.enqueue_indirect_dma source(%dma_start3A_117 : memref<2097152xf32, #tpu.memory_space<hbm>>) target(%dma_start3A_112 : memref<1600xf32, #tpu.memory_space<vmem>>) offsets(%dma_start3A_115 : memref<1600xi32, #tpu.memory_space<vmem>>) semaphore(%arg17 : memref<!tpu.dma_semaphore, #tpu.memory_space<semaphore_mem>>)
      } else {
      }
      %scan3A_88 = arith.constant 0 : i32
      %scan3A_89 = arith.constant 0 : i32
      %scan3A_90 = arith.constant 25 : i32
      %scan3A_91 = arith.addi %scan3A_89, %scan3A_90 : i32
      %scan3A_92 = arith.constant 1 : i32
      scf.for %scan3A_102 = %scan3A_89 to %scan3A_91 step %scan3A_92  : i32 {
        %mul3A_103 = arith.constant 16 : i32
        %mul3A_104 = arith.muli %scan3A_102, %mul3A_103 : i32
        %mul3A_105 = arith.constant 16 : i32
        %mul3A_106 = arith.muli %scan3A_102, %mul3A_105 : i32
        %add3A_107 = vector.broadcast %mul3A_106 : i32 to vector<16xi32>
        %add3A_108 = arith.addi %add3A_107, %iota3A : vector<16xi32>
        %get3A = arith.index_cast %rem3A_63 : i32 to index
        %get3A_109 = arith.index_cast %mul3A_104 : i32 to index
        %get3A_110 = tpu.vector_load %arg10[%get3A, %get3A_109] {strides = array<i32>} : memref<2x400xf32, #tpu.memory_space<vmem>>, vector<16xf32>,
        %get3A_111 = arith.index_cast %rem3A_63 : i32 to index
        %get3A_112 = arith.index_cast %mul3A_104 : i32 to index
        %get3A_113 = tpu.vector_load %arg11[%get3A_111, %get3A_112] {strides = array<i32>} : memref<2x400xf32, #tpu.memory_space<vmem>>, vector<16xf32>,
        %get3A_114 = arith.index_cast %rem3A_63 : i32 to index
        %get3A_115 = arith.index_cast %mul3A_104 : i32 to index
        %get3A_116 = tpu.vector_load %arg12[%get3A_114, %get3A_115] {strides = array<i32>} : memref<2x400xf32, #tpu.memory_space<vmem>>, vector<16xf32>,
        %get3A_117 = arith.index_cast %rem3A_63 : i32 to index
        %get3A_118 = arith.index_cast %mul3A_104 : i32 to index
        %get3A_119 = tpu.vector_load %arg13[%get3A_117, %get3A_118] {strides = array<i32>} : memref<2x400xf32, #tpu.memory_space<vmem>>, vector<16xf32>,
        %get3A_120 = arith.index_cast %rem3A_63 : i32 to index
        %get3A_121 = arith.index_cast %mul3A_104 : i32 to index
        %get3A_122 = tpu.vector_load %arg14[%get3A_120, %get3A_121] {strides = array<i32>} : memref<2x1600xf32, #tpu.memory_space<vmem>>, vector<16xf32>,
        %mul3A_123 = arith.constant 16 : i32
        %mul3A_124 = arith.muli %scan3A_102, %mul3A_123 : i32
        %add3A_125 = arith.constant 400 : i32
        %add3A_126 = arith.addi %add3A_125, %mul3A_124 : i32
        %get3A_127 = arith.index_cast %rem3A_63 : i32 to index
        %get3A_128 = arith.index_cast %add3A_126 : i32 to index
        %get3A_129 = tpu.vector_load %arg14[%get3A_127, %get3A_128] {strides = array<i32>} : memref<2x1600xf32, #tpu.memory_space<vmem>>, vector<16xf32>,
        %mul3A_130 = arith.constant 16 : i32
        %mul3A_131 = arith.muli %scan3A_102, %mul3A_130 : i32
        %add3A_132 = arith.constant 800 : i32
        %add3A_133 = arith.addi %add3A_132, %mul3A_131 : i32
        %get3A_134 = arith.index_cast %rem3A_63 : i32 to index
        %get3A_135 = arith.index_cast %add3A_133 : i32 to index
        %get3A_136 = tpu.vector_load %arg14[%get3A_134, %get3A_135] {strides = array<i32>} : memref<2x1600xf32, #tpu.memory_space<vmem>>, vector<16xf32>,
        %mul3A_137 = arith.constant 16 : i32
        %mul3A_138 = arith.muli %scan3A_102, %mul3A_137 : i32
        %add3A_139 = arith.constant 1200 : i32
        %add3A_140 = arith.addi %add3A_139, %mul3A_138 : i32
        %get3A_141 = arith.index_cast %rem3A_63 : i32 to index
        %get3A_142 = arith.index_cast %add3A_140 : i32 to index
        %get3A_143 = tpu.vector_load %arg14[%get3A_141, %get3A_142] {strides = array<i32>} : memref<2x1600xf32, #tpu.memory_space<vmem>>, vector<16xf32>,
        %mul3A_144 = arith.mulf %get3A_122, %get3A_110 : vector<16xf32>
        %mul3A_145 = arith.mulf %get3A_129, %get3A_113 : vector<16xf32>
        %add3A_146 = arith.addf %mul3A_144, %mul3A_145 : vector<16xf32>
        %mul3A_147 = arith.mulf %get3A_136, %get3A_116 : vector<16xf32>
        %add3A_148 = arith.addf %add3A_146, %mul3A_147 : vector<16xf32>
        %mul3A_149 = arith.mulf %get3A_143, %get3A_119 : vector<16xf32>
        %add3A_150 = arith.addf %add3A_148, %mul3A_149 : vector<16xf32>
        tpu.vector_store_idx %arg16[%add3A_108, %broadcast_in_dim3A_19], %add3A_150 : memref<400x2xf32, #tpu.memory_space<vmem>>[vector<16xi32>, vector<16xi32>], vector<16xf32>,
        %get3A_151 = arith.index_cast %rem3A_63 : i32 to index
        %get3A_152 = arith.index_cast %mul3A_104 : i32 to index
        %get3A_153 = tpu.vector_load %arg15[%get3A_151, %get3A_152] {strides = array<i32>} : memref<2x1600xf32, #tpu.memory_space<vmem>>, vector<16xf32>,
        %mul3A_154 = arith.constant 16 : i32
        %mul3A_155 = arith.muli %scan3A_102, %mul3A_154 : i32
        %add3A_156 = arith.constant 400 : i32
        %add3A_157 = arith.addi %add3A_156, %mul3A_155 : i32
        %get3A_158 = arith.index_cast %rem3A_63 : i32 to index
        %get3A_159 = arith.index_cast %add3A_157 : i32 to index
        %get3A_160 = tpu.vector_load %arg15[%get3A_158, %get3A_159] {strides = array<i32>} : memref<2x1600xf32, #tpu.memory_space<vmem>>, vector<16xf32>,
        %mul3A_161 = arith.constant 16 : i32
        %mul3A_162 = arith.muli %scan3A_102, %mul3A_161 : i32
        %add3A_163 = arith.constant 800 : i32
        %add3A_164 = arith.addi %add3A_163, %mul3A_162 : i32
        %get3A_165 = arith.index_cast %rem3A_63 : i32 to index
        %get3A_166 = arith.index_cast %add3A_164 : i32 to index
        %get3A_167 = tpu.vector_load %arg15[%get3A_165, %get3A_166] {strides = array<i32>} : memref<2x1600xf32, #tpu.memory_space<vmem>>, vector<16xf32>,
        %mul3A_168 = arith.constant 16 : i32
        %mul3A_169 = arith.muli %scan3A_102, %mul3A_168 : i32
        %add3A_170 = arith.constant 1200 : i32
        %add3A_171 = arith.addi %add3A_170, %mul3A_169 : i32
        %get3A_172 = arith.index_cast %rem3A_63 : i32 to index
        %get3A_173 = arith.index_cast %add3A_171 : i32 to index
        %get3A_174 = tpu.vector_load %arg15[%get3A_172, %get3A_173] {strides = array<i32>} : memref<2x1600xf32, #tpu.memory_space<vmem>>, vector<16xf32>,
        %mul3A_175 = arith.mulf %get3A_153, %get3A_110 : vector<16xf32>
        %mul3A_176 = arith.mulf %get3A_160, %get3A_113 : vector<16xf32>
        %add3A_177 = arith.addf %mul3A_175, %mul3A_176 : vector<16xf32>
        %mul3A_178 = arith.mulf %get3A_167, %get3A_116 : vector<16xf32>
        %add3A_179 = arith.addf %add3A_177, %mul3A_178 : vector<16xf32>
        %mul3A_180 = arith.mulf %get3A_174, %get3A_119 : vector<16xf32>
        %add3A_181 = arith.addf %add3A_179, %mul3A_180 : vector<16xf32>
        tpu.vector_store_idx %arg16[%add3A_108, %broadcast_in_dim3A_21], %add3A_181 : memref<400x2xf32, #tpu.memory_space<vmem>>[vector<16xi32>, vector<16xi32>], vector<16xf32>,
      }
      %scan3A_93 = arith.constant 25 : i32
      %mul3A_94 = arith.constant 400 : i32
      %mul3A_95 = arith.muli %scan3A_61, %mul3A_94 : i32
      %add3A_96 = arith.addi %mul3A_23, %mul3A_95 : i32
      "tpu.region"() ({
        %run_scoped3A_102 = tpu.sem_alloc : memref<!tpu.dma_semaphore, #tpu.memory_space<semaphore_mem>>
        %dma_start3A_103 = arith.constant 0 : i32
        %dma_start3A_104 = tpu.memref_slice %arg6[%add3A_96, %dma_start3A_103] : memref<1600000x2xf32, #tpu.memory_space<hbm>> -> memref<400x2xf32, #tpu.memory_space<hbm>>
        %dma_start3A_105 = arith.constant 0 : i32
        %dma_start3A_106 = tpu.memref_slice %arg6[%add3A_96, %dma_start3A_105] : memref<1600000x2xf32, #tpu.memory_space<hbm>> -> memref<400x2xf32, #tpu.memory_space<hbm>>
        tpu.enqueue_dma source(%arg16 : memref<400x2xf32, #tpu.memory_space<vmem>>) target(%dma_start3A_106 : memref<400x2xf32, #tpu.memory_space<hbm>>) target_semaphore(%run_scoped3A_102 : memref<!tpu.dma_semaphore, #tpu.memory_space<semaphore_mem>>)
        %dma_wait3A_107 = arith.constant 0 : i32
        %dma_wait3A_108 = tpu.memref_slice %arg6[%add3A_96, %dma_wait3A_107] : memref<1600000x2xf32, #tpu.memory_space<hbm>> -> memref<400x2xf32, #tpu.memory_space<hbm>>
        %dma_wait3A_109 = arith.constant 0 : i32
        %dma_wait3A_110 = tpu.memref_slice %arg6[%add3A_96, %dma_wait3A_109] : memref<1600000x2xf32, #tpu.memory_space<hbm>> -> memref<400x2xf32, #tpu.memory_space<hbm>>
        tpu.wait_dma2 semaphore(%run_scoped3A_102 : memref<!tpu.dma_semaphore, #tpu.memory_space<semaphore_mem>>) src(%arg16 : memref<400x2xf32, #tpu.memory_space<vmem>>) dst(%dma_wait3A_110 : memref<400x2xf32, #tpu.memory_space<hbm>>)
        tpu.yield
      }) : () -> ()
      %lt3A_97 = arith.constant 123 : i32
      %lt3A_98 = arith.cmpi slt, %scan3A_61, %lt3A_97 : i32
      %convert_element_type3A_99 = arith.extui %lt3A_98 : i1 to i32
      %cond3A_100 = arith.constant 0 : i32
      %cond3A_101 = arith.cmpi ne, %convert_element_type3A_99, %cond3A_100 : i32
      scf.if %cond3A_101 {
        %add3A_102 = arith.constant 2 : i32
        %add3A_103 = arith.addi %scan3A_61, %add3A_102 : i32
        %mul3A_104 = arith.constant 400 : i32
        %mul3A_105 = arith.muli %add3A_103, %mul3A_104 : i32
        %add3A_106 = arith.addi %mul3A_23, %mul3A_105 : i32
        "tpu.region"() ({
          %run_scoped3A_107 = tpu.sem_alloc : memref<!tpu.dma_semaphore, #tpu.memory_space<semaphore_mem>>
          %dma_start3A_108 = arith.constant 0 : i32
          %dma_start3A_109 = tpu.memref_slice %arg7[%rem3A_63, %dma_start3A_108] : memref<2x400xf32, #tpu.memory_space<vmem>> -> memref<1x400xf32, #tpu.memory_space<vmem>>
          %dma_start3A_110 = tpu.memref_squeeze %dma_start3A_109 : memref<1x400xf32, #tpu.memory_space<vmem>> -> memref<400xf32, #tpu.memory_space<vmem>>
          %dma_start3A_111 = tpu.memref_slice %arg4[%add3A_106] : memref<1600000xf32, #tpu.memory_space<hbm>> -> memref<400xf32, #tpu.memory_space<hbm>>
          %dma_start3A_112 = arith.constant 0 : i32
          %dma_start3A_113 = tpu.memref_slice %arg7[%rem3A_63, %dma_start3A_112] : memref<2x400xf32, #tpu.memory_space<vmem>> -> memref<1x400xf32, #tpu.memory_space<vmem>>
          %dma_start3A_114 = tpu.memref_squeeze %dma_start3A_113 : memref<1x400xf32, #tpu.memory_space<vmem>> -> memref<400xf32, #tpu.memory_space<vmem>>
          %dma_start3A_115 = tpu.memref_slice %arg4[%add3A_106] : memref<1600000xf32, #tpu.memory_space<hbm>> -> memref<400xf32, #tpu.memory_space<hbm>>
          tpu.enqueue_dma source(%dma_start3A_115 : memref<400xf32, #tpu.memory_space<hbm>>) target(%dma_start3A_114 : memref<400xf32, #tpu.memory_space<vmem>>) target_semaphore(%run_scoped3A_107 : memref<!tpu.dma_semaphore, #tpu.memory_space<semaphore_mem>>)
          %dma_wait3A_116 = arith.constant 0 : i32
          %dma_wait3A_117 = tpu.memref_slice %arg7[%rem3A_63, %dma_wait3A_116] : memref<2x400xf32, #tpu.memory_space<vmem>> -> memref<1x400xf32, #tpu.memory_space<vmem>>
          %dma_wait3A_118 = tpu.memref_squeeze %dma_wait3A_117 : memref<1x400xf32, #tpu.memory_space<vmem>> -> memref<400xf32, #tpu.memory_space<vmem>>
          %dma_wait3A_119 = tpu.memref_slice %arg4[%add3A_106] : memref<1600000xf32, #tpu.memory_space<hbm>> -> memref<400xf32, #tpu.memory_space<hbm>>
          %dma_wait3A_120 = arith.constant 0 : i32
          %dma_wait3A_121 = tpu.memref_slice %arg7[%rem3A_63, %dma_wait3A_120] : memref<2x400xf32, #tpu.memory_space<vmem>> -> memref<1x400xf32, #tpu.memory_space<vmem>>
          %dma_wait3A_122 = tpu.memref_squeeze %dma_wait3A_121 : memref<1x400xf32, #tpu.memory_space<vmem>> -> memref<400xf32, #tpu.memory_space<vmem>>
          %dma_wait3A_123 = tpu.memref_slice %arg4[%add3A_106] : memref<1600000xf32, #tpu.memory_space<hbm>> -> memref<400xf32, #tpu.memory_space<hbm>>
          tpu.wait_dma2 semaphore(%run_scoped3A_107 : memref<!tpu.dma_semaphore, #tpu.memory_space<semaphore_mem>>) src(%dma_wait3A_123 : memref<400xf32, #tpu.memory_space<hbm>>) dst(%dma_wait3A_122 : memref<400xf32, #tpu.memory_space<vmem>>)
          tpu.yield
        }) : () -> ()
        "tpu.region"() ({
          %run_scoped3A_107 = tpu.sem_alloc : memref<!tpu.dma_semaphore, #tpu.memory_space<semaphore_mem>>
          %dma_start3A_108 = arith.constant 0 : i32
          %dma_start3A_109 = tpu.memref_slice %arg8[%rem3A_63, %dma_start3A_108] : memref<2x400xf32, #tpu.memory_space<vmem>> -> memref<1x400xf32, #tpu.memory_space<vmem>>
          %dma_start3A_110 = tpu.memref_squeeze %dma_start3A_109 : memref<1x400xf32, #tpu.memory_space<vmem>> -> memref<400xf32, #tpu.memory_space<vmem>>
          %dma_start3A_111 = tpu.memref_slice %arg5[%add3A_106] : memref<1600000xf32, #tpu.memory_space<hbm>> -> memref<400xf32, #tpu.memory_space<hbm>>
          %dma_start3A_112 = arith.constant 0 : i32
          %dma_start3A_113 = tpu.memref_slice %arg8[%rem3A_63, %dma_start3A_112] : memref<2x400xf32, #tpu.memory_space<vmem>> -> memref<1x400xf32, #tpu.memory_space<vmem>>
          %dma_start3A_114 = tpu.memref_squeeze %dma_start3A_113 : memref<1x400xf32, #tpu.memory_space<vmem>> -> memref<400xf32, #tpu.memory_space<vmem>>
          %dma_start3A_115 = tpu.memref_slice %arg5[%add3A_106] : memref<1600000xf32, #tpu.memory_space<hbm>> -> memref<400xf32, #tpu.memory_space<hbm>>
          tpu.enqueue_dma source(%dma_start3A_115 : memref<400xf32, #tpu.memory_space<hbm>>) target(%dma_start3A_114 : memref<400xf32, #tpu.memory_space<vmem>>) target_semaphore(%run_scoped3A_107 : memref<!tpu.dma_semaphore, #tpu.memory_space<semaphore_mem>>)
          %dma_wait3A_116 = arith.constant 0 : i32
          %dma_wait3A_117 = tpu.memref_slice %arg8[%rem3A_63, %dma_wait3A_116] : memref<2x400xf32, #tpu.memory_space<vmem>> -> memref<1x400xf32, #tpu.memory_space<vmem>>
          %dma_wait3A_118 = tpu.memref_squeeze %dma_wait3A_117 : memref<1x400xf32, #tpu.memory_space<vmem>> -> memref<400xf32, #tpu.memory_space<vmem>>
          %dma_wait3A_119 = tpu.memref_slice %arg5[%add3A_106] : memref<1600000xf32, #tpu.memory_space<hbm>> -> memref<400xf32, #tpu.memory_space<hbm>>
          %dma_wait3A_120 = arith.constant 0 : i32
          %dma_wait3A_121 = tpu.memref_slice %arg8[%rem3A_63, %dma_wait3A_120] : memref<2x400xf32, #tpu.memory_space<vmem>> -> memref<1x400xf32, #tpu.memory_space<vmem>>
          %dma_wait3A_122 = tpu.memref_squeeze %dma_wait3A_121 : memref<1x400xf32, #tpu.memory_space<vmem>> -> memref<400xf32, #tpu.memory_space<vmem>>
          %dma_wait3A_123 = tpu.memref_slice %arg5[%add3A_106] : memref<1600000xf32, #tpu.memory_space<hbm>> -> memref<400xf32, #tpu.memory_space<hbm>>
          tpu.wait_dma2 semaphore(%run_scoped3A_107 : memref<!tpu.dma_semaphore, #tpu.memory_space<semaphore_mem>>) src(%dma_wait3A_123 : memref<400xf32, #tpu.memory_space<hbm>>) dst(%dma_wait3A_122 : memref<400xf32, #tpu.memory_space<vmem>>)
          tpu.yield
        }) : () -> ()
      } else {
      }
    }
    %scan3A_60 = arith.constant 125 : i32
    return
  }
}

</mosaic_0001>

<sc_bundles>
// kernel: kernel.3.cloned.1.call-start
scs
__scs_entry_jumppad:
0x0: {  	(pc) =	sbr.rel $0x88, $3  }
0x1: {  	(tag) =	ssettag $0x0;
	lr =	simm.s32 $0x1  }
0x2: {  	[smem:$0x3F9E] =	sst lr;
	_ =	strace $0xD0000000  }
0x3: {  	_ = 	snop  }
0x4: {  	_ = 	snop  }
0x5: {  	_ = 	snop  }
0x6: {  	_ = 	snop  }
0x7: {  	_ = 	snop  }
__scs_overlays_trampoline_lowered:
0x8: {  	[smem:$0x3FAD] =	sst s0  }
0x9: {  	[smem:$0x3FAE] =	sst s1  }
0xa: {  	[smem:$0x3FAF] =	sst s2  }
0xb: {  	[smem:$0x3FB0] =	sst s3  }
0xc: {  	[smem:$0x3FB1] =	sst s4  }
0xd: {  	[smem:$0x3FB2] =	sst s5  }
0xe: {  	[smem:$0x3FB3] =	sst s6  }
0xf: {  	[smem:$0x3FB4] =	sst s7  }
0x10: {  	[smem:$0x3FB5] =	sst s8  }
0x11: {  	[smem:$0x3FB6] =	sst s9;
	s0 =	simm.s32 @!p0 $0x0  }
0x12: {  	s1 =	sld [smem:$0x3F9C];
	s0 =	simm.s32 @p0 $0x1  }
0x13: {  	[smem:$0x3FB7] =	sst s0;
	s0 =	simm.s32 @!p1 $0x0  }
0x14: {  	s2 =	sld [smem:$0x3F9B];
	s0 =	simm.s32 @p1 $0x1  }
0x15: {  	[smem:$0x3FB8] =	sst s0;
	s0 =	simm.s32 @!p2 $0x0  }
0x16: {  	s3 =	sld [smem:$0x3FDB];
	s0 =	simm.s32 @p2 $0x1  }
0x17: {  	s4 =	simm.s32 $0x1BF5;
	[smem:$0x3FBA] =	sst s0  }
0x18: {  	s0 =	sld [smem:$0x3F9D];
	_ =	swait.ge [sflag:s4], $0x0  }
0x19: {  	s7 =	sld [smem:$0x3F9E]  }
0x1a: {  	s8 =	sadd.s32 $0xFFFFE003, lr  }
0x1b: {  	s9 =	sadd.s32 $0xFFFFFEF7, lr;
	s5 =	simm.s32 $0xFFFFFFFF;
	p2 =	slt.u32 s8, $0xFFFFF086  }
0x1c: {  	p1 =	slt.u32 s9, $0xF7A;
	s5 =	simm.s32 @!p2 $0x0  }
0x1d: {  	s5 =	simm.s32 @p1 $0x1;
	p0 =	seq.s32 s7, s2  }
0x1e: {  	s7 =	smul.u32 @!p0 $0xF7A, s2;
	p2 =	seq.s32 @!p0 s5, $0x0  }
0x1f: {  	s9 =	smul.u32 $0xF7A, s1;
	s8 =	simm.s32 @!p0 $0x1BF5;
	p2 =	por !p2, p0  }
0x20: {  	[sflag:s8] =	ssyncset.s32 @!p0 $0xFFFFF086;
	s6 =	sadd.s32 @!p0 s3, s7;
	s7 =	simm.s32 @!p0 $0x108  }
0x21: {  	s3 =	sadd.s32 s3, s9;
	s6 =	sadd.s32 @!p0 $0x88, s6;
	s7 =	simm.s32 @p2 $0x1082  }
0x22: {  	[simem:s7], [sflag:s8] =	dma.local @!p0 [hbm:s6], $0xF7A  }
0x23: {  	s9 =	sor.u32 $0xD0000000, s2;
	s6 =	simm.s32 $0x108;
	_ =	swait.ge @!p0 [sflag:s8], $0x0  }
0x24: {  	s3 =	sadd.s32 $0x88, s3;
	s6 =	simm.s32 @!p1 $0x1082;
	[sflag:s4] =	ssyncset.s32 $0xFFFFF086  }
0x25: {  	[simem:s6], [sflag:s4] =	dma.local [hbm:s3], $0xF7A  }
0x26: {  	[smem:$0x3F9E] =	sst s1;
	(tag) =	ssettag s2;
	_ =	strace s9  }
0x27: {  	s1 =	sld [smem:$0x3FAE]  }
0x28: {  	s2 =	sld [smem:$0x3FAF]  }
0x29: {  	s4 =	sld [smem:$0x3FB1]  }
0x2a: {  	p0 =	seq.s32 s5, $0x0;
	s5 =	sld [smem:$0x3FB2]  }
0x2b: {  	s6 =	sld [smem:$0x3FB3]  }
0x2c: {  	s7 =	sld [smem:$0x3FB4]  }
0x2d: {  	s3 =	simm.s32 $0x108;
	s8 =	sld [smem:$0x3FB5]  }
0x2e: {  	s3 =	simm.s32 @!p0 $0x1082;
	s9 =	sld [smem:$0x3FB6]  }
0x2f: {  	lr =	sadd.s32 s0, s3;
	s0 =	sld [smem:$0x3FAD]  }
0x30: {  	s3 =	sld [smem:$0x3FB0]  }
0x31: {  	[smem:$0x3FB9] =	sst s10  }
0x32: {  	s10 =	sld [smem:$0x3FB7];
	_ =	sdelay $0x3  }
0x33: {  	p0 =	seq.s32 s10, $0x1;
	s10 =	sld [smem:$0x3FB9];
	_ =	sdelay $0x3  }
0x34: {  	[smem:$0x3FB9] =	sst s10  }
0x35: {  	s10 =	sld [smem:$0x3FB8];
	_ =	sdelay $0x3  }
0x36: {  	p1 =	seq.s32 s10, $0x1;
	s10 =	sld [smem:$0x3FB9];
	_ =	sdelay $0x3  }
0x37: {  	[smem:$0x3FB9] =	sst s10  }
0x38: {  	s10 =	sld [smem:$0x3FBA]  }
0x39: {  	_ = 	snop;
	(pc) =	sbr.ind lr, $3  }
0x3a: {  	_ = 	snop  }
0x3b: {  	_ = 	snop  }
0x3c: {  	p2 =	seq.s32 s10, $0x1;
	s10 =	sld [smem:$0x3FB9]  }
0x3d: {  	_ =	shalt  }
0x3e: {  	_ =	shalt  }
0x3f: {  	_ =	shalt  }
0x40: {  	_ =	shalt  }
0x41: {  	_ =	shalt  }
0x42: {  	_ =	shalt  }
0x43: {  	_ =	shalt  }
0x44: {  	_ =	shalt  }
0x45: {  	_ =	shalt  }
0x46: {  	_ =	shalt  }
0x47: {  	_ =	shalt  }
0x48: {  	_ =	shalt  }
0x49: {  	_ =	shalt  }
0x4a: {  	_ =	shalt  }
0x4b: {  	_ =	shalt  }
0x4c: {  	_ =	shalt  }
0x4d: {  	_ =	shalt  }
0x4e: {  	_ =	shalt  }
0x4f: {  	_ =	shalt  }
0x50: {  	_ =	shalt  }
0x51: {  	_ =	shalt  }
0x52: {  	_ =	shalt  }
0x53: {  	_ =	shalt  }
0x54: {  	_ =	shalt  }
0x55: {  	_ =	shalt  }
0x56: {  	_ =	shalt  }
0x57: {  	_ =	shalt  }
0x58: {  	_ =	shalt  }
0x59: {  	_ =	shalt  }
0x5a: {  	_ =	shalt  }
0x5b: {  	_ =	shalt  }
0x5c: {  	_ =	shalt  }
0x5d: {  	_ =	shalt  }
0x5e: {  	_ =	shalt  }
0x5f: {  	_ =	shalt  }
0x60: {  	_ =	shalt  }
0x61: {  	_ =	shalt  }
0x62: {  	_ =	shalt  }
0x63: {  	_ =	shalt  }
0x64: {  	_ =	shalt  }
0x65: {  	_ =	shalt  }
0x66: {  	_ =	shalt  }
0x67: {  	_ =	shalt  }
0x68: {  	_ =	shalt  }
0x69: {  	_ =	shalt  }
0x6a: {  	_ =	shalt  }
0x6b: {  	_ =	shalt  }
0x6c: {  	_ =	shalt  }
0x6d: {  	_ =	shalt  }
0x6e: {  	_ =	shalt  }
0x6f: {  	_ =	shalt  }
0x70: {  	_ =	shalt  }
0x71: {  	_ =	shalt  }
0x72: {  	_ =	shalt  }
0x73: {  	_ =	shalt  }
0x74: {  	_ =	shalt  }
0x75: {  	_ =	shalt  }
0x76: {  	_ =	shalt  }
0x77: {  	_ =	shalt  }
0x78: {  	_ =	shalt  }
0x79: {  	_ =	shalt  }
0x7a: {  	_ =	shalt  }
0x7b: {  	_ =	shalt  }
0x7c: {  	_ =	shalt  }
0x7d: {  	_ =	shalt  }
0x7e: {  	_ =	shalt  }
0x7f: {  	_ =	shalt  }
0x80: {  	_ =	shalt  }
0x81: {  	_ =	shalt  }
0x82: {  	_ =	shalt  }
0x83: {  	_ =	shalt  }
0x84: {  	_ =	shalt  }
0x85: {  	_ =	shalt  }
0x86: {  	_ =	shalt  }
0x87: {  	_ =	shalt  }
.Lfunc_end0:
.L_simem_size_0:
called_computation_lowered:
.L_overlay_start_0:
0x88: {  	s2 =	sld [smem:$0x3FD9]  }
0x89: {  	s3 =	sld [smem:$0x3FFE];
	_ =	sdelay $0x1  }
0x8a: {  	s1 =	srdreg.scid  }
0x8b: {  	s0 =	sand.u32 $0x1, s1  }
0x8c: {  	s17 =	sshll.u32 s0, $0xA;
	s2 =	sadd.s32 s3, s2  }
0x8d: {  	s2 =	sadd.s32 s2, s17  }
0x8e: {  	[smem:$0x3FC5] =	sst s2  }
0x8f: {  	_ = 	snop  }
0x90: {  	s2 =	sld [smem:$0x3FD0];
	(tm) =	ssettm $0x1  }
0x91: {  	s18 =	sld [smem:$0x3FFB];
	_ =	sdelay $0x3  }
0x92: {  	_ =	strace s18  }
0x93: {  	s3 =	sld [smem:$0x3FFC];
	_ =	sdelay $0x3  }
0x94: {  	_ =	strace s3  }
0x95: {  	s3 =	sld [smem:$0x3FFD];
	_ =	sdelay $0x3  }
0x96: {  	_ =	strace s3  }
0x97: {  	_ =	strace $0x8FFFFFFF  }
0x98: {  	s19 =	sld [smem:$0x3FDB];
	_ =	sdelay $0x1  }
0x99: {  	s4 =	simm.s32 $_scs_section_size  }
0x9a: {  	s5 =	simm.s32 $_size__tile_overlayer_lowered;
	s6 =	simm.s32 $_tile_overlayer_lowered  }
0x9b: {  	s22 =	simm.s32 $0x1BFF;
	s21 =	sshll.u32 s6, $0x1;
	s3 =	sadd.s32 s4, s19  }
0x9c: {  	s7 =	simm.s32 $0x0;
	s20 =	sshll.u32 s5, $0x1;
	s5 =	sadd.s32 s21, s3  }
0x9d: {  	[timem:s7], [sflag:s22] =	dma.local [hbm:s5], s20  }
0x9e: {  	_ =	swait.ge [sflag:s22], s20  }
0x9f: {  	s4 =	ssub.s32 $0x0, s20;
	[sflag:s22] =	ssyncset.done $0x0  }
0xa0: {  	[sflag:s22] =	ssyncadd.s32 s4;
	_ =	sdelay $0x1  }
0xa1: {  	s23 =	simm.s32 $0x1B8B  }
0xa2: {  	_ =	swait.ge [sflag:s23], $0x1  }
0xa3: {  	[sflag:s23] =	ssyncset.done $0x0  }
0xa4: {  	s25 =	simm.s32 $0x1B8E;
	s24 =	sld [smem:$0x3FFE];
	[sflag:s23] =	ssyncadd.s32 $0xFFFFFFFF  }
0xa5: {  	s26 =	simm.s32 $execute0_lowered;
	[smem:$0x3FD2] =	sst s25  }
0xa6: {  	s5 =	sshll.u32 s26, $0x1;
	_ =	strace $0x80000046;
	[dreg:$0x1] =	wrdreg $0xFFFFFFFF  }
0xa7: {  	s28 =	simm.s32 $_size_execute0_lowered;
	s3 =	sadd.s32 s3, s5;
	[dreg:$0x0] =	wrdreg $0x0  }
0xa8: {  	s5 =	sshll.u32 s28, $0x1;
	[dreg:$0x2] =	wrdreg s3  }
0xa9: {  	[dreg:$0x3] =	wrdreg s5  }
0xaa: {  	[dreg:$0x4] =	wrdreg $0xC0  }
0xab: {  	_ =	task [dreg:s7], $0x5FFFF  }
0xac: {  	[dreg:$0x1] =	wrdreg $0xFFFFFFFF  }
0xad: {  	[dreg:$0x0] =	wrdreg $0x60  }
0xae: {  	[dreg:$0x2] =	wrdreg s2  }
0xaf: {  	[dreg:$0x3] =	wrdreg s24  }
0xb0: {  	[dreg:$0x4] =	wrdreg $0x9  }
0xb1: {  	_ =	task.clear_ibuf [dreg:s7], $0x5FFFF;
	_ =	strace $0x90000046  }
0xb2: {  	s29 =	simm.s32 $0x9;
	_ =	strace $0x80000048  }
0xb3: {  	_ =	swait.ge [sflag:s29], $0x1  }
0xb4: {  	[sflag:s29] =	ssyncadd.s32 $0xFFFFFFFF  }
0xb5: {  	_ =	strace $0x90000048  }
0xb6: {  	_ =	sfence  }
0xb7: {  	s30 =	sld [smem:$0x0];
	_ =	sdelay $0x2  }
0xb8: {  	s31 =	sshll.u32 s1, $0xD;
	s1 =	sshrl.u32 s1, $0x2  }
0xb9: {  	s3 =	sand.u32 $0x4000, s31;
	s1 =	sadd.s32 s1, s30  }
0xba: {  	s0 =	sor.u32 s3, s0;
	s1 =	sshll.u32 s1, $0x11  }
0xbb: {  	s0 =	sor.u32 s1, s0  }
0xbc: {  	s0 =	sadd.s32 $0x8F2B, s0  }
0xbd: {  	[sflag:s0] =	ssyncadd.remote.s32 $0x1  }
0xbe: {  	_ =	sfence.sel $0xFFFF  }
0xbf: {  	[dreg:$0x0] =	wrdreg $0xFFFFFFFF;
	(pc) =	sbr.abs _section_cstart, $3  }
0xc0: {  	[dreg:$0x1] =	wrdreg $0xFFFFFFFF  }
0xc1: {  	_ =	task.clear_ibuf [dreg:s7], $0x2FFFF;
	_ =	strace $0x9FFFFFFF  }
0xc2: {  	(tm) =	ssettm $0x7FFFFFFF  }
0xc3: {  	_ =	shalt  }
tec
execute0_lowered:
.L_overlay_start_1:
0x0: {  	(tag) =	ssettag $0x1  }
0x1: {  	s2 =	rddreg [dreg:$0x0];
	s1 =	srdreg.scid  }
0x2: {  	s0 =	stileid.u32;
	s7 =	rddreg [dreg:$0x1];
	s3 =	simm.s32 $0x0  }
0x3: {  	s15 =	simm.s32 $0x320;
	s16 =	simm.s32 $0x640;
	s17 =	simm.s32 $0x1F40  }
0x4: {  	s18 =	simm.s32 $0x2BC0;
	s19 =	simm.s32 $0x190;
	s20 =	simm.s32 $0x4B0  }
0x5: {  	s21 =	simm.s32 $0x1;
	s23 =	simm.s32 $0x3;
	s24 =	simm.s32 $0x0  }
0x6: {  	s8 =	sand.u32 $0x1, s1;
	s4 =	sshll.u32 s0, $0x1;
	s1 =	rddreg [dreg:$0x2]  }
0x7: {  	[smem:$0x7FF] =	sst s3;
	s5 =	sadd.s32 $0x31E00, s7;
	s6 =	sadd.s32 $0x1000, s7  }
0x8: {  	s9 =	sshll.u32 s0, $0x11;
	s4 =	sor.u32 s8, s4;
	_ =	strace $0x80000047  }
0x9: {  	s31 =	ssub.s32 $0x2, s8;
	s22 =	sand.u32 $0x1C0000, s9;
	s12 =	smul.u32 $0xC350, s4  }
0xa: {  	s4 =	sadd.s32 $0x62C00, s7;
	s8 =	sshrl.u32 s31, $0x1;
	v0 =	vmov s22;
	s22 =	simm.s32 $0x3840  }
0xb: {  	s13 =	ssub.s32 s31, s8;
	s11 =	sadd.s32 s12, s7;
	s10 =	sshrl.u32 s12, $0x3  }
0xc: {  	s12 =	sadd.s32 $0x320, s12;
	s13 =	smax.u32 s13, $0x1;
	s14 =	sadd.s32 $0x32, s10  }
0xd: {  	v1 =	vlaneseq.u32;
	s7 =	sadd.s32 s5, s10;
	s8 =	sadd.s32 s6, s10;
	s11 =	sadd.s32 $0xA2C00, s11  }
0xe: {  	v1 =	vmul.u32 $0x8, v1;
	s9 =	sadd.s32 s5, s14;
	s10 =	sadd.s32 s6, s14;
	s14 =	simm.s32 $0x2  }
.LBB2_1:
0xf: {  	[tilespmem:s3], [sflag:$0x2] =	stream.linear.gather [hbm4b:s7+s3], $0x190, $0x38;
	[tilespmem:$0x44C0] =	vst v63  }
0x10: {  	_ =	swait.ge [sflag:s14], $0x190  }
0x11: {  	[sflag:s14] =	ssyncset.done $0x0  }
0x12: {  	[sflag:s14] =	ssyncadd.s32 $0xFFFFFE70  }
0x13: {  	[tilespmem:s15], [sflag:$0x2] =	stream.linear.gather [hbm4b:s8+s3], $0x190, $0x38;
	[tilespmem:$0x44C0] =	vst v63  }
0x14: {  	_ =	swait.ge [sflag:s14], $0x190  }
0x15: {  	[sflag:s14] =	ssyncset.done $0x0  }
0x16: {  	s26 =	simm.s32 $0x0;
	[sflag:s14] =	ssyncadd.s32 $0xFFFFFE70  }
0x17: {  	v4 =	vld [tilespmem:s26+$0x320];
	_ =	sdelay $0x1  }
0x18: {  	v6 =	vld [tilespmem:s26+$0x0];
	_ =	sdelay $0x2  }
0x19: {  	v2 =	vtrunc.f32 v4  }
0x1a: {  	v2 =	vcvt.f32.s32 v2  }
0x1b: {  	s25 =	simm.s32 $0x10;
	v5 =	vtrunc.f32 v6  }
0x1c: {  	v3 =	vld [tilespmem:s25+$0x320];
	v5 =	vcvt.f32.s32 v5;
	vm0 =	vlt.s32 v2, $0x1FE  }
0x1d: {  	v7 =	vnsel vm0, $0x1FE, v2  }
0x1e: {  	vm15 =	vlt.s32 v5, $0x1FE;
	v2 =	vld [tilespmem:s25+$0x0];
	v8 =	vcvt.s32.f32 v7  }
0x1f: {  	v9 =	vnsel vm15, $0x1FE, v5;
	v7 =	vadd.s32 v0, v7  }
0x20: {  	v10 =	vcvt.s32.f32 v9;
	v5 =	vsub.f32 v4, v8;
	v4 =	vshll.u32 v9, $0x9  }
0x21: {  	v8 =	vtrunc.f32 v3;
	v4 =	vadd.s32 v4, v7  }
0x22: {  	v8 =	vcvt.f32.s32 v8;
	v7 =	vsub.f32 v6, v10;
	v6 =	vsub.f32 $1.000000000e+00, v5  }
0x23: {  	s28 =	simm.s32 $0x20;
	s29 =	simm.s32 $0xC0;
	v10 =	vtrunc.f32 v2;
	v11 =	vadd.s32 $0x1, v4;
	v9 =	vadd.s32 $0x200, v4  }
.LBB2_2:
0x24: {  	p0 =	sne.s32 s29, $0x600;
	v12 =	vld [tilespmem:s28+$0x320];
	v10 =	vcvt.f32.s32 v10;
	vm0 =	vlt.s32 v8, $0x1FE;
	[tilespmem:s26+$0x7D0] =	vst v11;
	v11 =	vmul.f32 v6, v7;
	s30 =	smov.u32 s25;
	s25 =	smov.u32 s28  }
0x25: {  	v13 =	vsub.f32 $1.000000000e+00, v7;
	v7 =	vmul.f32 v5, v7;
	v8 =	vnsel vm0, $0x1FE, v8;
	[tilespmem:s26+$0x960] =	vst v9  }
0x26: {  	v14 =	vld [tilespmem:s25+$0x0];
	vm0 =	vlt.s32 v10, $0x1FE;
	v9 =	vcvt.s32.f32 v8;
	v8 =	vadd.s32 v0, v8;
	[tilespmem:s26+$0x1900] =	vst v11  }
.Ltmp0:
0x27: {  	v6 =	vmul.f32 v6, v13;
	v11 =	vmul.f32 v5, v13;
	v10 =	vnsel vm0, $0x1FE, v10;
	[tilespmem:s26+$0x1C20] =	vst v7;
	(pc) =	sbr.rel @p0 .LBB2_2-.Ltmp0, $4  }
0x28: {  	v7 =	vcvt.s32.f32 v10;
	v5 =	vsub.f32 v3, v9;
	v10 =	vshll.u32 v10, $0x9;
	[tilespmem:s26+$0x640] =	vst v4  }
0x29: {  	v13 =	vadd.s32 $0x201, v4;
	v9 =	vtrunc.f32 v12;
	v4 =	vadd.s32 v10, v8;
	[tilespmem:s26+$0x12C0] =	vst v6;
	v3 =	vmovc v12  }
0x2a: {  	v8 =	vcvt.f32.s32 v9;
	v7 =	vsub.f32 v2, v7;
	v6 =	vsub.f32 $1.000000000e+00, v5;
	[tilespmem:s26+$0x15E0] =	vst v11  }
0x2b: {  	s28 =	sshra.s32 s29, $0x2;
	s29 =	sadd.s32 $0x40, s29;
	v11 =	vadd.s32 $0x1, v4;
	v9 =	vadd.s32 $0x200, v4;
	v10 =	vtrunc.f32 v14;
	[tilespmem:s26+$0xAF0] =	vst v13;
	v2 =	vmovc v14;
	s26 =	smov.u32 s30  }
0x2c: {  	v12 =	vld [tilespmem:s28+$0x320];
	[tilespmem:s26+$0x7D0] =	vst v11;
	v10 =	vcvt.f32.s32 v10  }
0x2d: {  	vm0 =	vlt.s32 v8, $0x1FE;
	v41 =	vmul.f32 v6, v7;
	[tilespmem:s26+$0x960] =	vst v9;
	v42 =	vsub.f32 $1.000000000e+00, v7  }
0x2e: {  	v43 =	vmul.f32 v5, v7;
	v49 =	vadd.s32 $0x201, v4;
	v8 =	vnsel vm0, $0x1FE, v8;
	v13 =	vld [tilespmem:s28+$0x0];
	[tilespmem:s26+$0x640] =	vst v4  }
0x2f: {  	[tilespmem:s26+$0xAF0] =	vst v49;
	vm13 =	vlt.s32 v10, $0x1FE;
	v14 =	vcvt.s32.f32 v8;
	v8 =	vadd.s32 v0, v8  }
0x30: {  	[tilespmem:s26+$0x1900] =	vst v41;
	v44 =	vmul.f32 v6, v42;
	v45 =	vmul.f32 v5, v42;
	v10 =	vnsel vm13, $0x1FE, v10  }
0x31: {  	[tilespmem:s26+$0x1C20] =	vst v43;
	v46 =	vcvt.s32.f32 v10;
	v3 =	vsub.f32 v3, v14;
	v47 =	vshll.u32 v10, $0x9  }
0x32: {  	[tilespmem:s26+$0x12C0] =	vst v44;
	v48 =	vtrunc.f32 v12;
	v8 =	vadd.s32 v47, v8  }
0x33: {  	[tilespmem:s26+$0x15E0] =	vst v45;
	v50 =	vcvt.f32.s32 v48;
	v2 =	vsub.f32 v2, v46;
	v51 =	vsub.f32 $1.000000000e+00, v3  }
0x34: {  	v52 =	vtrunc.f32 v13;
	v9 =	vadd.s32 $0x1, v8;
	v53 =	vadd.s32 $0x200, v8;
	[tilespmem:s25+$0x640] =	vst v8  }
0x35: {  	v60 =	vadd.s32 $0x201, v8;
	v54 =	vcvt.f32.s32 v52;
	[tilespmem:s25+$0x7D0] =	vst v9;
	vm14 =	vlt.s32 v50, $0x1FE  }
0x36: {  	[tilespmem:s25+$0x960] =	vst v53;
	v55 =	vmul.f32 v51, v2;
	v56 =	vsub.f32 $1.000000000e+00, v2;
	v6 =	vnsel vm14, $0x1FE, v50  }
0x37: {  	[tilespmem:s25+$0xAF0] =	vst v60;
	v2 =	vmul.f32 v3, v2;
	vm15 =	vlt.s32 v54, $0x1FE;
	v57 =	vcvt.s32.f32 v6  }
0x38: {  	[tilespmem:s25+$0x1900] =	vst v55;
	v4 =	vnsel vm15, $0x1FE, v54;
	v58 =	vmul.f32 v51, v56  }
0x39: {  	v3 =	vmul.f32 v3, v56;
	[tilespmem:s25+$0x1C20] =	vst v2;
	v2 =	vcvt.s32.f32 v4;
	v59 =	vsub.f32 v12, v57  }
0x3a: {  	v6 =	vadd.s32 v0, v6;
	v4 =	vshll.u32 v4, $0x9;
	[tilespmem:s25+$0x12C0] =	vst v58  }
0x3b: {  	v4 =	vadd.s32 v4, v6;
	[tilespmem:s25+$0x15E0] =	vst v3;
	v2 =	vsub.f32 v13, v2;
	v61 =	vsub.f32 $1.000000000e+00, v59  }
0x3c: {  	v3 =	vadd.s32 $0x1, v4;
	[tilespmem:s28+$0x640] =	vst v4  }
0x3d: {  	v62 =	vadd.s32 $0x200, v4;
	[tilespmem:s28+$0x7D0] =	vst v3;
	v63 =	vsub.f32 $1.000000000e+00, v2;
	v3 =	vmul.f32 v61, v2  }
0x3e: {  	[tilespmem:s28+$0x960] =	vst v62;
	v2 =	vmul.f32 v59, v2  }
0x3f: {  	[tilespmem:s28+$0x1900] =	vst v3;
	v3 =	vmul.f32 v61, v63  }
0x40: {  	[tilespmem:s28+$0x1C20] =	vst v2;
	v2 =	vmul.f32 v59, v63  }
0x41: {  	[tilespmem:s28+$0x12C0] =	vst v3  }
0x42: {  	v3 =	vadd.s32 $0x201, v4;
	[tilespmem:s28+$0x15E0] =	vst v2  }
0x43: {  	[tilespmem:s28+$0xAF0] =	vst v3  }
0x44: {  	[tilespmem:s17], [sflag:$0x1] =	stream.indirect.gather [hbm4b:s2+s16], $0x1, s16, s16, $0xb8;
	[tilespmem:$0x44C0] =	vst v63  }
0x45: {  	_ = 	snop  }
0x46: {  	[tilespmem:s18], [sflag:$0x1] =	stream.indirect.gather [hbm4b:s4+s16], $0x1, s16, s16, $0xb8;
	[tilespmem:$0x44C0] =	vst v63  }
0x47: {  	s25 =	simm.s32 $0x0  }
0x48: {  	[tilespmem:s19], [sflag:$0x2] =	stream.linear.gather [hbm4b:s9+s25], $0x190, $0x38;
	[tilespmem:$0x44C0] =	vst v63  }
0x49: {  	_ =	swait.ge [sflag:s14], $0x190  }
0x4a: {  	[sflag:s14] =	ssyncset.done $0x0  }
0x4b: {  	[sflag:s14] =	ssyncadd.s32 $0xFFFFFE70  }
0x4c: {  	[tilespmem:s20], [sflag:$0x2] =	stream.linear.gather [hbm4b:s10+s25], $0x190, $0x38;
	[tilespmem:$0x44C0] =	vst v63  }
0x4d: {  	_ =	swait.ge [sflag:s14], $0x190  }
0x4e: {  	[sflag:s14] =	ssyncset.done $0x0  }
0x4f: {  	p0 =	por $0x1, $0x1;
	p1 =	por $0x0, $0x0;
	[sflag:s14] =	ssyncadd.s32 $0xFFFFFE70  }
.LBB2_4:
0x50: {  	p2 =	seq.s32 s25, $0x7C  }
.Ltmp1:
0x51: {  	_ = 	snop;
	(pc) =	sbr.rel @!p2 .LBB2_5-.Ltmp1, $2  }
0x52: {  	_ =	sdelay $0x2  }
0x53: {  	s26 =	sand.u32 $0x1, s25  }
0x54: {  	_ =	swait.ge [sflag:s21], $0x640  }
.Ltmp2:
0x55: {  	[sflag:s21] =	ssyncset.done $0x0;
	(pc) =	sbr.rel .LBB2_9-.Ltmp2, $4  }
0x56: {  	[sflag:s21] =	ssyncadd.s32 $0xFFFFF9C0  }
0x57: {  	_ =	swait.ge [sflag:s21], $0x640  }
0x58: {  	[sflag:s21] =	ssyncset.done $0x0  }
0x59: {  	[sflag:s21] =	ssyncadd.s32 $0xFFFFF9C0  }
.LBB2_5:
0x5a: {  	s29 =	simm.s32 $0x1  }
0x5b: {  	s29 =	simm.s32 @!p0 $0x0  }
0x5c: {  	s28 =	smul.u32 $0x640, s29;
	_ =	sdelay $0x1  }
0x5d: {  	s30 =	sshrl.u32 s28, $0x2  }
0x5e: {  	s28 =	sadd.s32 $0x320, s30;
	v2 =	vmov s30  }
0x5f: {  	v3 =	vmov s28;
	_ =	sdelay $0x2  }
0x60: {  	s28 =	simm.s32 $0x0  }
0x61: {  	v5 =	vld.idx.msk [tilespmem:v2+s28+$0x0 ss:$0x1], $0xffff  }
0x62: {  	v6 =	vld.idx.msk [tilespmem:v3+s28+$0x0 ss:$0x1], $0xffff;
	_ =	sdelay $0x4  }
0x63: {  	s29 =	smul.u32 $0x1900, s29;
	v4 =	vtrunc.f32 v5;
	v7 =	vtrunc.f32 v6  }
0x64: {  	v4 =	vcvt.f32.s32 v4;
	v7 =	vcvt.f32.s32 v7  }
0x65: {  	s29 =	sshrl.u32 s29, $0x2  }
0x66: {  	s29 =	sadd.s32 $0x640, s29;
	vm0 =	vlt.s32 v4, $0x1FE;
	vm1 =	vlt.s32 v7, $0x1FE  }
0x67: {  	v8 =	vnsel vm0, $0x1FE, v4;
	v4 =	vmov s29;
	v7 =	vnsel vm1, $0x1FE, v7  }
0x68: {  	v9 =	vcvt.s32.f32 v8;
	v10 =	vcvt.s32.f32 v7  }
0x69: {  	v8 =	vshll.u32 v8, $0x9  }
0x6a: {  	s31 =	sadd.s32 $0x12C0, s30;
	v7 =	vadd.s32 v0, v7;
	v11 =	vsub.f32 v5, v9;
	v9 =	vsub.f32 v6, v10  }
0x6b: {  	v5 =	vmov s31;
	v7 =	vadd.s32 v8, v7  }
0x6c: {  	v8 =	vadd.s32 $0x1, v7;
	v10 =	vsub.f32 $1.000000000e+00, v11;
	[tilespmem:v4+s28+$0x0 ss:$0x1] =	vst.idx.msk $0xffff, v7;
	v12 =	vsub.f32 $1.000000000e+00, v9  }
0x6d: {  	s29 =	sadd.s32 $0x15E0, s30;
	[tilespmem:v4+s28+$0x190 ss:$0x1] =	vst.idx.msk $0xffff, v8;
	v8 =	vadd.s32 $0x200, v7  }
0x6e: {  	v6 =	vmov s29;
	s29 =	sadd.s32 $0x1900, s30;
	v7 =	vadd.s32 $0x201, v7;
	[tilespmem:v4+s28+$0x320 ss:$0x1] =	vst.idx.msk $0xffff, v8;
	v8 =	vmul.f32 v12, v10  }
0x6f: {  	s30 =	sadd.s32 $0x1C20, s30;
	[tilespmem:v4+s28+$0x4B0 ss:$0x1] =	vst.idx.msk $0xffff, v7;
	v7 =	vmov s29  }
0x70: {  	[tilespmem:v5+s28+$0x0 ss:$0x1] =	vst.idx.msk $0xffff, v8;
	v8 =	vmov s30  }
0x71: {  	v13 =	vmul.f32 v9, v10  }
0x72: {  	v10 =	vmul.f32 v12, v11  }
0x73: {  	s29 =	sxor.u32 $0x1, s26;
	v9 =	vmul.f32 v9, v11;
	s30 =	simm.s32 $0x40;
	[tilespmem:v6+s28+$0x0 ss:$0x1] =	vst.idx.msk $0xffff, v13  }
.LBB2_6:
0x74: {  	p2 =	sne.s32 s30, $0x600;
	[tilespmem:v7+s28+$0x0 ss:$0x1] =	vst.idx.msk $0xffff, v10;
	s31 =	smov.u32 s30;
	s30 =	sadd.s32 $0x40, s30  }
0x75: {  	[tilespmem:v8+s28+$0x0 ss:$0x1] =	vst.idx.msk $0xffff, v9;
	s28 =	sshra.s32 s31, $0x2  }
0x76: {  	v9 =	vld.idx.msk [tilespmem:v2+s28+$0x0 ss:$0x1], $0xffff  }
0x77: {  	v10 =	vld.idx.msk [tilespmem:v3+s28+$0x0 ss:$0x1], $0xffff;
	_ =	sdelay $0x4  }
0x78: {  	v11 =	vtrunc.f32 v9  }
0x79: {  	v11 =	vcvt.f32.s32 v11;
	v12 =	vtrunc.f32 v10  }
0x7a: {  	v12 =	vcvt.f32.s32 v12  }
0x7b: {  	vm0 =	vlt.s32 v11, $0x1FE  }
0x7c: {  	v11 =	vnsel vm0, $0x1FE, v11;
	vm0 =	vlt.s32 v12, $0x1FE  }
0x7d: {  	v12 =	vnsel vm0, $0x1FE, v12;
	v13 =	vcvt.s32.f32 v11  }
0x7e: {  	v11 =	vshll.u32 v11, $0x9;
	v14 =	vcvt.s32.f32 v12;
	v12 =	vadd.s32 v0, v12  }
0x7f: {  	v13 =	vsub.f32 v9, v13;
	v11 =	vadd.s32 v11, v12  }
0x80: {  	v10 =	vsub.f32 v10, v14;
	v9 =	vadd.s32 $0x1, v11  }
0x81: {  	v12 =	vsub.f32 $1.000000000e+00, v13;
	[tilespmem:v4+s28+$0x0 ss:$0x1] =	vst.idx.msk $0xffff, v11  }
0x82: {  	v15 =	vadd.s32 $0x200, v11;
	v14 =	vsub.f32 $1.000000000e+00, v10;
	[tilespmem:v4+s28+$0x190 ss:$0x1] =	vst.idx.msk $0xffff, v9;
	v9 =	vmul.f32 v10, v13  }
.Ltmp3:
0x83: {  	v11 =	vadd.s32 $0x201, v11;
	[tilespmem:v4+s28+$0x320 ss:$0x1] =	vst.idx.msk $0xffff, v15;
	v15 =	vmul.f32 v10, v12;
	(pc) =	sbr.rel @p2 .LBB2_6-.Ltmp3, $3  }
0x84: {  	v10 =	vmul.f32 v14, v13;
	[tilespmem:v4+s28+$0x4B0 ss:$0x1] =	vst.idx.msk $0xffff, v11;
	v11 =	vmul.f32 v14, v12;
	_ =	sdelay $0x1  }
0x85: {  	[tilespmem:v5+s28+$0x0 ss:$0x1] =	vst.idx.msk $0xffff, v11  }
0x86: {  	[tilespmem:v6+s28+$0x0 ss:$0x1] =	vst.idx.msk $0xffff, v15  }
0x87: {  	_ =	sdelay $0x3  }
0x88: {  	[tilespmem:v7+s28+$0x0 ss:$0x1] =	vst.idx.msk $0xffff, v10  }
0x89: {  	[tilespmem:v8+s28+$0x0 ss:$0x1] =	vst.idx.msk $0xffff, v9  }
0x8a: {  	_ =	swait.ge [sflag:s21], $0x640  }
0x8b: {  	[sflag:s21] =	ssyncset.done $0x0  }
0x8c: {  	[sflag:s21] =	ssyncadd.s32 $0xFFFFF9C0  }
0x8d: {  	s31 =	smul.u32 $0x640, s29;
	_ =	swait.ge [sflag:s21], $0x640  }
0x8e: {  	[sflag:s21] =	ssyncset.done $0x0  }
0x8f: {  	s29 =	sadd.s32 $0x1F40, s31;
	s30 =	sadd.s32 $0x640, s31;
	[sflag:s21] =	ssyncadd.s32 $0xFFFFF9C0  }
0x90: {  	[tilespmem:s29], [sflag:$0x1] =	stream.indirect.gather [hbm4b:s2+s16], $0x1, s30, s16, $0xb8;
	[tilespmem:$0x44C0] =	vst v63  }
0x91: {  	s28 =	sadd.s32 $0x2BC0, s31  }
0x92: {  	[tilespmem:s28], [sflag:$0x1] =	stream.indirect.gather [hbm4b:s4+s16], $0x1, s30, s16, $0xb8;
	[tilespmem:$0x44C0] =	vst v63  }
.LBB2_9:
0x93: {  	s28 =	simm.s32 $0x1  }
0x94: {  	s28 =	simm.s32 @!p1 $0x0  }
0x95: {  	s29 =	smul.u32 $0x1900, s28;
	_ =	sdelay $0x1  }
0x96: {  	s28 =	smul.u32 $0x640, s28;
	s29 =	sshrl.u32 s29, $0x2  }
0x97: {  	s30 =	sadd.s32 $0x1F40, s29  }
0x98: {  	s28 =	sshrl.u32 s28, $0x2;
	v2 =	vmov s30  }
0x99: {  	s31 =	sadd.s32 $0x15E0, s28  }
0x9a: {  	s30 =	sadd.s32 $0x12C0, s28;
	v4 =	vmov s31  }
0x9b: {  	v3 =	vmov s30  }
0x9c: {  	s31 =	simm.s32 $0x0;
	s30 =	sadd.s32 $0x1900, s28  }
0x9d: {  	v5 =	vmov s30;
	v7 =	vld.idx.msk [tilespmem:v2+s31+$0x190 ss:$0x1], $0xffff  }
0x9e: {  	s28 =	sadd.s32 $0x1C20, s28;
	v8 =	vld.idx.msk [tilespmem:v2+s31+$0x0 ss:$0x1], $0xffff  }
0x9f: {  	v6 =	vmov s28;
	v10 =	vld.idx.msk [tilespmem:v4+s31+$0x0 ss:$0x1], $0xffff  }
0xa0: {  	v9 =	vld.idx.msk [tilespmem:v3+s31+$0x0 ss:$0x1], $0xffff  }
0xa1: {  	v11 =	vld.idx.msk [tilespmem:v2+s31+$0x320 ss:$0x1], $0xffff  }
0xa2: {  	v12 =	vld.idx.msk [tilespmem:v5+s31+$0x0 ss:$0x1], $0xffff  }
0xa3: {  	v13 =	vld.idx.msk [tilespmem:v2+s31+$0x4B0 ss:$0x1], $0xffff  }
0xa4: {  	v14 =	vld.idx.msk [tilespmem:v6+s31+$0x0 ss:$0x1], $0xffff  }
0xa5: {  	s28 =	simm.s32 $0x0;
	v7 =	vmul.f32 v7, v10;
	v8 =	vmul.f32 v8, v9  }
0xa6: {  	v15 =	vmov s28  }
0xa7: {  	v15 =	vshll.u32 v15, $0x3;
	v11 =	vmul.f32 v11, v12;
	v8 =	vadd.f32 v7, v8  }
0xa8: {  	s29 =	sadd.s32 $0x2BC0, s29;
	v15 =	vor.u32 v1, v15  }
0xa9: {  	v7 =	vmov s29;
	v8 =	vadd.f32 v11, v8;
	v11 =	vmul.f32 v13, v14;
	_ =	sdelay $0x1  }
0xaa: {  	v8 =	vadd.f32 v11, v8;
	_ =	sdelay $0x1  }
0xab: {  	[tilespmem:v15+s22+$0x0] =	vst.idx.msk $0xffff, v8  }
0xac: {  	v8 =	vld.idx.msk [tilespmem:v7+s31+$0x0 ss:$0x1], $0xffff  }
0xad: {  	v11 =	vld.idx.msk [tilespmem:v7+s31+$0x190 ss:$0x1], $0xffff  }
0xae: {  	v63 =	vld.idx.msk [tilespmem:v7+s31+$0x320 ss:$0x1], $0xffff  }
0xaf: {  	v16 =	vld.idx.msk [tilespmem:v7+s31+$0x4B0 ss:$0x1], $0xffff;
	_ =	sdelay $0x2  }
0xb0: {  	v8 =	vmul.f32 v8, v9;
	v10 =	vmul.f32 v11, v10  }
0xb1: {  	v9 =	vmul.f32 v63, v12  }
0xb2: {  	s26 =	smul.u32 $0x190, s26;
	s29 =	simm.s32 $0x40;
	v11 =	vadd.f32 v10, v8;
	v8 =	vor.u32 $0x1, v15;
	v10 =	vmul.f32 v16, v14  }
.LBB2_10:
0xb3: {  	p2 =	sne.s32 s29, $0x600  }
0xb4: {  	v9 =	vadd.f32 v9, v11;
	s28 =	sadd.s32 $0x10, s28;
	s30 =	smov.u32 s29;
	s29 =	sadd.s32 $0x40, s29  }
0xb5: {  	_ = 	snop  }
0xb6: {  	v9 =	vadd.f32 v10, v9;
	_ =	sdelay $0x1  }
0xb7: {  	s30 =	sshra.s32 s30, $0x2;
	[tilespmem:v8+s22+$0x0] =	vst.idx.msk $0xffff, v9  }
0xb8: {  	v8 =	vld.idx.msk [tilespmem:v2+s30+$0x190 ss:$0x1], $0xffff  }
0xb9: {  	v9 =	vld.idx.msk [tilespmem:v2+s30+$0x0 ss:$0x1], $0xffff  }
0xba: {  	v10 =	vld.idx.msk [tilespmem:v3+s30+$0x0 ss:$0x1], $0xffff  }
0xbb: {  	v11 =	vld.idx.msk [tilespmem:v4+s30+$0x0 ss:$0x1], $0xffff  }
0xbc: {  	v12 =	vld.idx.msk [tilespmem:v2+s30+$0x320 ss:$0x1], $0xffff  }
0xbd: {  	v13 =	vld.idx.msk [tilespmem:v5+s30+$0x0 ss:$0x1], $0xffff  }
0xbe: {  	v14 =	vld.idx.msk [tilespmem:v2+s30+$0x4B0 ss:$0x1], $0xffff  }
0xbf: {  	v15 =	vld.idx.msk [tilespmem:v6+s30+$0x0 ss:$0x1], $0xffff  }
0xc0: {  	v9 =	vmul.f32 v9, v10  }
0xc1: {  	v8 =	vmul.f32 v8, v11  }
0xc2: {  	v16 =	vmov s28  }
0xc3: {  	v16 =	vshll.u32 v16, $0x3;
	v8 =	vadd.f32 v8, v9;
	v9 =	vmul.f32 v12, v13  }
0xc4: {  	v12 =	vor.u32 v1, v16  }
0xc5: {  	v8 =	vadd.f32 v9, v8;
	v9 =	vmul.f32 v14, v15;
	_ =	sdelay $0x1  }
0xc6: {  	v8 =	vadd.f32 v9, v8;
	_ =	sdelay $0x1  }
0xc7: {  	[tilespmem:v12+s22+$0x0] =	vst.idx.msk $0xffff, v8  }
0xc8: {  	v8 =	vld.idx.msk [tilespmem:v7+s30+$0x0 ss:$0x1], $0xffff  }
0xc9: {  	v9 =	vld.idx.msk [tilespmem:v7+s30+$0x190 ss:$0x1], $0xffff  }
0xca: {  	v14 =	vld.idx.msk [tilespmem:v7+s30+$0x320 ss:$0x1], $0xffff  }
0xcb: {  	v16 =	vld.idx.msk [tilespmem:v7+s30+$0x4B0 ss:$0x1], $0xffff;
	_ =	sdelay $0x2  }
.Ltmp4:
0xcc: {  	v8 =	vmul.f32 v8, v10;
	(pc) =	sbr.rel @p2 .LBB2_10-.Ltmp4, $4  }
0xcd: {  	v10 =	vmul.f32 v9, v11  }
0xce: {  	v9 =	vmul.f32 v14, v13  }
0xcf: {  	v11 =	vadd.f32 v10, v8;
	v8 =	vor.u32 $0x1, v12  }
0xd0: {  	v10 =	vmul.f32 v16, v15  }
0xd1: {  	v2 =	vadd.f32 v9, v11;
	_ =	sdelay $0x1  }
0xd2: {  	s28 =	smul.u32 $0x190, s25;
	v2 =	vadd.f32 v10, v2;
	_ =	sdelay $0x1  }
0xd3: {  	p2 =	sgt.u32 s25, $0x7A;
	s29 =	sadd.s32 s28, s11;
	[tilespmem:v8+s22+$0x0] =	vst.idx.msk $0xffff, v2  }
0xd4: {  	[hbm4b:s29+s3] =	stream.linear.scatter [tilespmem:s22], [sflag:$0x3], $0xC80, $0x38;
	[tilespmem:$0x44C0] =	vst v63  }
0xd5: {  	s28 =	sadd.s32 @!p2 s28, s12;
	_ =	swait.ge [sflag:s23], $0xC80  }
0xd6: {  	s28 =	sshrl.u32 @!p2 s28, $0x3;
	[sflag:s23] =	ssyncset.done $0x0  }
0xd7: {  	s30 =	simm.s32 @!p2 $0x0;
	s29 =	sadd.s32 @!p2 s5, s28;
	[sflag:s23] =	ssyncadd.s32 $0xFFFFF380  }
0xd8: {  	[tilespmem:s26], [sflag:$0x3] =	stream.linear.gather @!p2 [hbm4b:s29+s30], $0x190, $0x38;
	[tilespmem:$0x44C0] =	vst v63  }
0xd9: {  	s29 =	simm.s32 @!p2 $0x3  }
0xda: {  	s25 =	sadd.s32 $0x1, s25;
	_ =	swait.ge @!p2 [sflag:s29], $0x190  }
0xdb: {  	p3 =	sne.s32 s25, $0x7D;
	[sflag:s29] =	ssyncset.done @!p2 $0x0  }
0xdc: {  	s28 =	sadd.s32 @!p2 s6, s28;
	s26 =	sadd.s32 @!p2 $0x320, s26;
	[sflag:s29] =	ssyncadd.s32 @!p2 $0xFFFFFE70  }
0xdd: {  	[tilespmem:s26], [sflag:$0x2] =	stream.linear.gather @!p2 [hbm4b:s28+s30], $0x190, $0x38;
	[tilespmem:$0x44C0] =	vst v63  }
.Ltmp5:
0xde: {  	_ = 	snop;
	(pc) =	sbr.rel @p3 .LBB2_4-.Ltmp5, $4  }
0xdf: {  	s26 =	simm.s32 @!p2 $0x2  }
0xe0: {  	_ =	swait.ge @!p2 [sflag:s26], $0x190  }
0xe1: {  	[sflag:s26] =	ssyncset.done @!p2 $0x0  }
0xe2: {  	p0 =	por !p0, !p0;
	p1 =	por !p1, !p1;
	[sflag:s26] =	ssyncadd.s32 @!p2 $0xFFFFFE70  }
0xe3: {  	s24 =	sadd.s32 $0x1, s24  }
0xe4: {  	p0 =	sne.s32 s24, s13  }
.Ltmp6:
0xe5: {  	_ = 	snop;
	(pc) =	sbr.rel @p0 .LBB2_1-.Ltmp6, $1  }
0xe6: {  	_ =	sdelay $0x3  }
0xe7: {  	_ =	sfence.sel $0x180000  }
0xe8: {  	[bflag:$0x0] =	sbarrier.arrive $0xFFFF  }
0xe9: {  	p0 =	sne.s32 s0, $0x0;
	_ =	strace $0x90000047  }
0xea: {  	s0 =	sadd.s32 @!p0 $0x100000, s1;
	[bflag:$0x2] =	sbarrier.arrive $0xFFFF  }
0xeb: {  	[sflag:s0] =	ssyncadd.tile.s32 @!p0 $0x1;
	_ =	shalt  }
.Lfunc_end2:
_tile_overlayer_lowered:
.L_overlay_start_2:
0xec: {  	(tag) =	ssettag $0x2  }
0xed: {  	s0 =	rddreg [dreg:$0x0];
	s2 =	stileid.u32  }
0xee: {  	s1 =	rddreg [dreg:$0x1];
	p0 =	sne.s32 s2, $0x0  }
0xef: {  	s3 =	rddreg [dreg:$0x2];
	[bflag:$0x3] =	sbarrier.arrive $0xFFFF;
	s2 =	simm.s32 @!p0 $0x1C02  }
0xf0: {  	[timem:s3], [sflag:s2] =	dma.local @!p0 [hbm:s0], s1  }
0xf1: {  	s0 =	simm.s32 @!p0 $0x2  }
0xf2: {  	_ =	swait.ge @!p0 [sflag:s0], s1  }
0xf3: {  	s1 =	ssub.s32 @!p0 $0x0, s1;
	[sflag:s0] =	ssyncset.done @!p0 $0x0  }
0xf4: {  	[sflag:s0] =	ssyncadd.s32 @!p0 s1  }
0xf5: {  	[bflag:$0x3] =	sbarrier.arrive $0xFFFF  }
0xf6: {  	_ =	shalt  }

</sc_bundles>
